<compile_context>
chip_gen: v7x
topology: tpu7x:2x2x1
jax: 0.10.2.dev20260603
libtpu: 0.0.44.dev20260713+nightly
codegen_flags: <defaults>
</compile_context>

<pallas_src>
import functools

import jax
import jax.numpy as jnp
from jax import lax
from jax.experimental import pallas as pl
from jax.experimental.pallas import tpu as pltpu
from jax.experimental.pallas import tpu_sc as plsc

_N = 10000
_E = 160000
_C = 256
_H = 128
_TD = 128

_CH = 128
_EPAD = 163840
_NACC = 10112
_RPT = _NACC // 16

_BN = 1000
_GRID = _N // _BN

_mesh = plsc.VectorSubcoreMesh(core_axis_name="c", subcore_axis_name="s",
                               num_cores=2, num_subcores=16)


_DST = _EPAD // 32 // _CH


def _deg_body(dstd_hbm, ones_hbm, zeros_hbm, degp_hbm, idx_v, ones_v, zer_v, acc_sh, sem_s):
    cid = lax.axis_index("c")
    sid = lax.axis_index("s")
    r0 = sid * _RPT
    wid = cid * 16 + sid
    pltpu.sync_copy(dstd_hbm.at[wid], idx_v)
    pltpu.sync_copy(zeros_hbm, zer_v)
    pltpu.sync_copy(ones_hbm, ones_v)
    for j in range(_RPT // _CH):
        pltpu.sync_copy(zer_v, acc_sh.at[pl.ds(r0 + j * _CH, _CH)])
    if _RPT % _CH:
        pltpu.sync_copy(zer_v.at[pl.ds(0, _RPT % _CH)],
                        acc_sh.at[pl.ds(r0 + _RPT - _RPT % _CH, _RPT % _CH)])
    plsc.subcore_barrier()

    def step(i, carry):
        @pl.when(i >= 4)
        def _drain_one():
            pltpu.make_async_copy(zeros_hbm, zer_v, sem_s).wait()

        pltpu.async_copy(ones_v, acc_sh.at[idx_v.at[i]], sem_s, add=True)
        return carry

    lax.fori_loop(0, _DST, step, 0)
    for _ in range(4):
        pltpu.make_async_copy(zeros_hbm, zer_v, sem_s).wait()
    plsc.subcore_barrier()
    pltpu.sync_copy(acc_sh.at[pl.ds(r0, _RPT)], degp_hbm.at[cid, pl.ds(r0, _RPT)])


_deg_call = functools.partial(
    pl.kernel,
    out_type=jax.ShapeDtypeStruct((2, _NACC, _H), jnp.float32),
    mesh=_mesh,
    scratch_types=[
        pltpu.VMEM((_DST, _CH), jnp.int32),
        pltpu.VMEM((_CH, _H), jnp.float32),
        pltpu.VMEM((_CH, _H), jnp.float32),
        pltpu.VMEM_SHARED((_NACC, _H), jnp.float32),
        pltpu.SemaphoreType.DMA,
    ],
)(_deg_body)


_NST = _EPAD // 16 // _CH


def _scat_body(sdx_hbm, y2_hbm, zeros_hbm, acc_hbm,
               sd_v, rows_v, acc_sh, sem_i, sem_g, sem_s):
    cid = lax.axis_index("c")
    sid = lax.axis_index("s")
    r0 = sid * _RPT
    wid = cid * 16 + sid
    pltpu.sync_copy(zeros_hbm, rows_v.at[0])
    for j in range(_RPT // _CH):
        pltpu.sync_copy(rows_v.at[0], acc_sh.at[pl.ds(r0 + j * _CH, _CH)])
    if _RPT % _CH:
        pltpu.sync_copy(rows_v.at[0, pl.ds(0, _RPT % _CH)],
                        acc_sh.at[pl.ds(r0 + _RPT - _RPT % _CH, _RPT % _CH)])
    pltpu.async_copy(sdx_hbm.at[wid, 0], sd_v.at[0], sem_i)
    pltpu.async_copy(sdx_hbm.at[wid, 1], sd_v.at[1], sem_i)
    plsc.subcore_barrier()
    pltpu.make_async_copy(sdx_hbm.at[wid, 0], sd_v.at[0], sem_i).wait()
    pltpu.async_copy(y2_hbm.at[sd_v.at[0, 0]], rows_v.at[0], sem_g)

    def step(i, carry):
        cur = lax.rem(i, 3)
        nxt = lax.rem(i + 1, 3)

        @pl.when(i >= 2)
        def _wait_scat():
            pltpu.make_async_copy(zeros_hbm, rows_v.at[nxt], sem_s).wait()

        @pl.when(i < _NST - 2)
        def _next_idx():
            pltpu.async_copy(sdx_hbm.at[wid, i + 2], sd_v.at[lax.rem(i + 2, 4)],
                             sem_i)

        @pl.when(i < _NST - 1)
        def _next_gather():
            pltpu.make_async_copy(sdx_hbm.at[wid, 0], sd_v.at[0], sem_i).wait()
            pltpu.async_copy(y2_hbm.at[sd_v.at[lax.rem(i + 1, 4), 0]],
                             rows_v.at[nxt], sem_g)

        pltpu.make_async_copy(zeros_hbm, rows_v.at[cur], sem_g).wait()
        pltpu.async_copy(rows_v.at[cur], acc_sh.at[sd_v.at[lax.rem(i, 4), 1]],
                         sem_s, add=True)
        return carry

    lax.fori_loop(0, _NST, step, 0)
    pltpu.make_async_copy(zeros_hbm, rows_v.at[0], sem_s).wait()
    pltpu.make_async_copy(zeros_hbm, rows_v.at[0], sem_s).wait()
    plsc.subcore_barrier()
    pltpu.sync_copy(acc_sh.at[pl.ds(r0, _RPT)], acc_hbm.at[cid, pl.ds(r0, _RPT)])


_scat_call = functools.partial(
    pl.kernel,
    out_type=jax.ShapeDtypeStruct((2, _NACC, _H), jnp.float32),
    mesh=_mesh,
    scratch_types=[
        pltpu.VMEM((4, 2, _CH), jnp.int32),
        pltpu.VMEM((3, _CH, _H), jnp.float32),
        pltpu.VMEM_SHARED((_NACC, _H), jnp.float32),
        pltpu.SemaphoreType.DMA,
        pltpu.SemaphoreType.DMA,
        pltpu.SemaphoreType.DMA,
    ],
)(_scat_body)


def _prep_body(x_ref, gcw_ref, degp_ref, y_ref):
    xw = jnp.dot(x_ref[...], gcw_ref[...], preferred_element_type=jnp.float32)
    deg = degp_ref[0, :, 0] + degp_ref[1, :, 0] + 1.0
    y = xw * lax.rsqrt(deg)[:, None]
    y_ref[0] = y[:, :_H]
    y_ref[1] = y[:, _H:]


def _prep(x, gc_W, degp):
    return pl.pallas_call(
        _prep_body,
        grid=(_GRID,),
        in_specs=[
            pl.BlockSpec((_BN, _C), lambda i: (i, 0)),
            pl.BlockSpec((_C, _C), lambda i: (0, 0)),
            pl.BlockSpec((2, _BN, _H), lambda i: (0, i, 0)),
        ],
        out_specs=pl.BlockSpec((2, _BN, _H), lambda i: (0, i, 0)),
        out_shape=jax.ShapeDtypeStruct((2, _N, _H), jnp.float32),
    )(x, gc_W, degp)


def _final_body(acc_ref, y_ref, degp_ref, t_ref, gcb_ref, tw_ref, tb_ref,
                lw_ref, lb_ref, g_ref, b_ref, out_ref):
    deg = degp_ref[0, :, 0] + degp_ref[1, :, 0] + 1.0
    dinv = lax.rsqrt(deg)[:, None]
    accf = jnp.concatenate([acc_ref[0], acc_ref[1]], axis=1)
    yf = jnp.concatenate([y_ref[0], y_ref[1]], axis=1)
    g = dinv * (accf + yf) + gcb_ref[...]
    g = g * jax.nn.sigmoid(g)
    te = jnp.dot(t_ref[...], tw_ref[...], preferred_element_type=jnp.float32) + tb_ref[...]
    te = te * jax.nn.sigmoid(te)
    h = g + te
    h = jnp.dot(h, lw_ref[...], preferred_element_type=jnp.float32) + lb_ref[...]
    h = h * jax.nn.sigmoid(h)
    mu = jnp.mean(h, axis=1, keepdims=True)
    var = jnp.mean((h - mu) ** 2, axis=1, keepdims=True)
    out_ref[...] = (h - mu) * lax.rsqrt(var + 1e-5) * g_ref[...] + b_ref[...]


def _final(acc, y_sw, degp, t, gc_b, time_W, time_b, lin_W, lin_b, ln2_g, ln2_b):
    row = lambda i: (i, 0)
    fixed = lambda i: (0, 0)
    return pl.pallas_call(
        _final_body,
        grid=(_GRID,),
        in_specs=[
            pl.BlockSpec((2, _BN, _H), lambda i: (0, i, 0)),
            pl.BlockSpec((2, _BN, _H), lambda i: (0, i, 0)),
            pl.BlockSpec((2, _BN, _H), lambda i: (0, i, 0)),
            pl.BlockSpec((_BN, _TD), row),
            pl.BlockSpec((1, _C), fixed),
            pl.BlockSpec((_TD, _C), fixed),
            pl.BlockSpec((1, _C), fixed),
            pl.BlockSpec((_C, _C), fixed),
            pl.BlockSpec((1, _C), fixed),
            pl.BlockSpec((1, _C), fixed),
            pl.BlockSpec((1, _C), fixed),
        ],
        out_specs=pl.BlockSpec((_BN, _C), row),
        out_shape=jax.ShapeDtypeStruct((_N, _C), jnp.float32),
    )(acc, y_sw, degp, t, gc_b, time_W, time_b, lin_W, lin_b, ln2_g, ln2_b)


def kernel(x, edge_index, t, gc_W, gc_b, time_W, time_b, lin_W, lin_b, ln2_g, ln2_b):
    src = edge_index[0]
    dst = edge_index[1]
    npad = _EPAD - _E
    src_pad = jnp.concatenate([src, jnp.zeros((npad,), jnp.int32)])
    dst_pad = jnp.concatenate([dst, jnp.full((npad,), _N, jnp.int32)])
    src2 = jnp.concatenate([src_pad, src_pad + _N]).reshape(32, _NST, _CH)
    dstr = dst_pad.reshape(16, _NST, _CH)
    sdx = jnp.stack([src2, jnp.concatenate([dstr, dstr])], axis=2)

    ones128 = jnp.ones((_CH, _H), jnp.float32)
    zeros128 = jnp.zeros((_CH, _H), jnp.float32)

    dstd = dst_pad.reshape(32, _DST, _CH)
    degp = _deg_call(dstd, ones128, zeros128)
    y_sw = _prep(x, gc_W, degp)
    y2 = y_sw.reshape(2 * _N, _H)
    acc = _scat_call(sdx, y2, zeros128)

    gc_b2 = gc_b.reshape(1, _C)
    time_b2 = time_b.reshape(1, _C)
    lin_b2 = lin_b.reshape(1, _C)
    ln2_g2 = ln2_g.reshape(1, _C)
    ln2_b2 = ln2_b.reshape(1, _C)
    return _final(acc, y_sw, degp, t, gc_b2, time_W, time_b2,
                  lin_W, lin_b2, ln2_g2, ln2_b2)

# --- scband reference (transcript-rebuilt; emitter-appended) ---
"""Pipeline reference for scband-graph-conv-8229157339253 (READ-ONLY COPY).

The authoritative reference and input builder live on the scoring server;
editing this copy changes nothing except your own understanding.
"""

import jax, jax.numpy as jnp
import numpy as np

N, E = 10000, 160000
CIN, COUT, TDIM = 256, 256, 128


def setup_inputs(seed: int = 0) -> dict:
    key = jax.random.key(seed)
    ks = jax.random.split(key, 12)
    x = jax.random.normal(ks[0], (N, CIN), dtype=jnp.float32)
    edge_index = jax.random.randint(ks[1], (2, E), 0, N, dtype=jnp.int32)
    t = jax.random.normal(ks[2], (N, TDIM), dtype=jnp.float32)
    gc_W = jax.random.normal(ks[3], (CIN, COUT), dtype=jnp.float32) / np.sqrt(CIN)
    gc_b = jnp.zeros((COUT,), dtype=jnp.float32)
    time_W = jax.random.normal(ks[4], (TDIM, COUT), dtype=jnp.float32) / np.sqrt(TDIM)
    time_b = jnp.zeros((COUT,), dtype=jnp.float32)
    lin_W = jax.random.normal(ks[5], (COUT, COUT), dtype=jnp.float32) / np.sqrt(COUT)
    lin_b = jnp.zeros((COUT,), dtype=jnp.float32)
    ln2_g = jnp.ones((COUT,), dtype=jnp.float32)
    ln2_b = jnp.zeros((COUT,), dtype=jnp.float32)
    return {"x": x, "edge_index": edge_index, "t": t, "gc_W": gc_W, "gc_b": gc_b,
            "time_W": time_W, "time_b": time_b, "lin_W": lin_W, "lin_b": lin_b,
            "ln2_g": ln2_g, "ln2_b": ln2_b}


def _gcn_conv(x, edge_index, W, b):
    # PyG GCNConv: add self-loops, symmetric normalization, aggregate at dst
    n = x.shape[0]
    src, dst = edge_index[0], edge_index[1]
    loop = jnp.arange(n, dtype=src.dtype)
    src = jnp.concatenate([src, loop])
    dst = jnp.concatenate([dst, loop])
    deg = jnp.zeros((n,), x.dtype).at[dst].add(1.0)
    dinv = jnp.where(deg > 0, 1.0 / jnp.sqrt(deg), 0.0)
    norm = dinv[src] * dinv[dst]
    xw = x @ W
    msg = xw[src] * norm[:, None]
    out = jnp.zeros((n, W.shape[1]), x.dtype).at[dst].add(msg)
    return out + b


def _layer_norm(h, g, b, eps=1e-5):
    mu = jnp.mean(h, axis=-1, keepdims=True)
    var = jnp.mean((h - mu) ** 2, axis=-1, keepdims=True)
    return (h - mu) / jnp.sqrt(var + eps) * g + b


def reference(x, edge_index, t, gc_W, gc_b, time_W, time_b, lin_W, lin_b, ln2_g, ln2_b):
    act = jax.nn.silu
    h = act(_gcn_conv(x, edge_index, gc_W, gc_b))
    time_emb = act(t @ time_W + time_b)
    h = h + time_emb
    h = act(h @ lin_W + lin_b)
    h = _layer_norm(h, ln2_g, ln2_b)
    return h

if __name__ == "__main__":
    import jax
    _d = setup_inputs()
    print(jax.jit(kernel)(*tuple(_d.values())))

</pallas_src>

<mosaic_0001>
#map = affine_map<(d0, d1) -> (0, 0, 0)>
#map1 = affine_map<(d0, d1) -> (0, 0)>
module attributes {stable_mosaic.version = 14 : i64} {
  func.func @_deg_body(%arg0: i32, %arg1: i32, %arg2: memref<32x40x128xi32, #tpu.memory_space<hbm>>, %arg3: memref<128x128xf32, #tpu.memory_space<hbm>>, %arg4: memref<128x128xf32, #tpu.memory_space<hbm>>, %arg5: memref<2x10112x128xf32, #tpu.memory_space<hbm>>, %arg6: memref<40x128xi32, #tpu.memory_space<vmem>>, %arg7: memref<128x128xf32, #tpu.memory_space<vmem>>, %arg8: memref<128x128xf32, #tpu.memory_space<vmem>>, %arg9: memref<10112x128xf32, #tpu.memory_space<vmem_shared>>, %arg10: memref<!tpu.dma_semaphore, #tpu.memory_space<semaphore_mem>>) attributes {dimension_semantics = [#tpu.dimension_semantics<core_parallel>, #tpu.dimension_semantics<subcore_parallel>], iteration_bounds = array<i64: 2, 16>, scalar_prefetch = 0 : i64, scratch_operands = 5 : i64, tpu.core_type = #tpu.core_type<sc_vector_subcore>, window_params = [{transform_indices = #map}, {transform_indices = #map1}, {transform_indices = #map1}, {transform_indices = #map}]} {
    %mul3A = arith.constant 632 : i32
    %mul3A_0 = arith.muli %arg1, %mul3A : i32
    %mul3A_1 = arith.constant 16 : i32
    %mul3A_2 = arith.muli %arg0, %mul3A_1 : i32
    %add3A = arith.addi %mul3A_2, %arg1 : i32
    "tpu.region"() ({
      %run_scoped3A = tpu.sem_alloc : memref<!tpu.dma_semaphore, #tpu.memory_space<semaphore_mem>>
      %dma_start3A = arith.constant 0 : i32
      %dma_start3A_20 = arith.constant 0 : i32
      %dma_start3A_21 = tpu.memref_slice %arg2[%add3A, %dma_start3A, %dma_start3A_20] : memref<32x40x128xi32, #tpu.memory_space<hbm>> -> memref<1x40x128xi32, #tpu.memory_space<hbm>>
      %dma_start3A_22 = tpu.memref_squeeze %dma_start3A_21 : memref<1x40x128xi32, #tpu.memory_space<hbm>> -> memref<40x128xi32, #tpu.memory_space<hbm>>
      %dma_start3A_23 = arith.constant 0 : i32
      %dma_start3A_24 = arith.constant 0 : i32
      %dma_start3A_25 = tpu.memref_slice %arg2[%add3A, %dma_start3A_23, %dma_start3A_24] : memref<32x40x128xi32, #tpu.memory_space<hbm>> -> memref<1x40x128xi32, #tpu.memory_space<hbm>>
      %dma_start3A_26 = tpu.memref_squeeze %dma_start3A_25 : memref<1x40x128xi32, #tpu.memory_space<hbm>> -> memref<40x128xi32, #tpu.memory_space<hbm>>
      tpu.enqueue_dma source(%dma_start3A_26 : memref<40x128xi32, #tpu.memory_space<hbm>>) target(%arg6 : memref<40x128xi32, #tpu.memory_space<vmem>>) target_semaphore(%run_scoped3A : memref<!tpu.dma_semaphore, #tpu.memory_space<semaphore_mem>>)
      %dma_wait3A = arith.constant 0 : i32
      %dma_wait3A_27 = arith.constant 0 : i32
      %dma_wait3A_28 = tpu.memref_slice %arg2[%add3A, %dma_wait3A, %dma_wait3A_27] : memref<32x40x128xi32, #tpu.memory_space<hbm>> -> memref<1x40x128xi32, #tpu.memory_space<hbm>>
      %dma_wait3A_29 = tpu.memref_squeeze %dma_wait3A_28 : memref<1x40x128xi32, #tpu.memory_space<hbm>> -> memref<40x128xi32, #tpu.memory_space<hbm>>
      %dma_wait3A_30 = arith.constant 0 : i32
      %dma_wait3A_31 = arith.constant 0 : i32
      %dma_wait3A_32 = tpu.memref_slice %arg2[%add3A, %dma_wait3A_30, %dma_wait3A_31] : memref<32x40x128xi32, #tpu.memory_space<hbm>> -> memref<1x40x128xi32, #tpu.memory_space<hbm>>
      %dma_wait3A_33 = tpu.memref_squeeze %dma_wait3A_32 : memref<1x40x128xi32, #tpu.memory_space<hbm>> -> memref<40x128xi32, #tpu.memory_space<hbm>>
      tpu.wait_dma2 semaphore(%run_scoped3A : memref<!tpu.dma_semaphore, #tpu.memory_space<semaphore_mem>>) src(%dma_wait3A_33 : memref<40x128xi32, #tpu.memory_space<hbm>>) dst(%arg6 : memref<40x128xi32, #tpu.memory_space<vmem>>)
      tpu.yield
    }) : () -> ()
    "tpu.region"() ({
      %run_scoped3A = tpu.sem_alloc : memref<!tpu.dma_semaphore, #tpu.memory_space<semaphore_mem>>
      tpu.enqueue_dma source(%arg4 : memref<128x128xf32, #tpu.memory_space<hbm>>) target(%arg8 : memref<128x128xf32, #tpu.memory_space<vmem>>) target_semaphore(%run_scoped3A : memref<!tpu.dma_semaphore, #tpu.memory_space<semaphore_mem>>)
      tpu.wait_dma2 semaphore(%run_scoped3A : memref<!tpu.dma_semaphore, #tpu.memory_space<semaphore_mem>>) src(%arg4 : memref<128x128xf32, #tpu.memory_space<hbm>>) dst(%arg8 : memref<128x128xf32, #tpu.memory_space<vmem>>)
      tpu.yield
    }) : () -> ()
    "tpu.region"() ({
      %run_scoped3A = tpu.sem_alloc : memref<!tpu.dma_semaphore, #tpu.memory_space<semaphore_mem>>
      tpu.enqueue_dma source(%arg3 : memref<128x128xf32, #tpu.memory_space<hbm>>) target(%arg7 : memref<128x128xf32, #tpu.memory_space<vmem>>) target_semaphore(%run_scoped3A : memref<!tpu.dma_semaphore, #tpu.memory_space<semaphore_mem>>)
      tpu.wait_dma2 semaphore(%run_scoped3A : memref<!tpu.dma_semaphore, #tpu.memory_space<semaphore_mem>>) src(%arg3 : memref<128x128xf32, #tpu.memory_space<hbm>>) dst(%arg7 : memref<128x128xf32, #tpu.memory_space<vmem>>)
      tpu.yield
    }) : () -> ()
    %add3A_3 = arith.constant 0 : i32
    %add3A_4 = arith.addi %mul3A_0, %add3A_3 : i32
    "tpu.region"() ({
      %run_scoped3A = tpu.sem_alloc : memref<!tpu.dma_semaphore, #tpu.memory_space<semaphore_mem>>
      %dma_start3A = arith.constant 0 : i32
      %dma_start3A_20 = tpu.memref_slice %arg9[%add3A_4, %dma_start3A] : memref<10112x128xf32, #tpu.memory_space<vmem_shared>> -> memref<128x128xf32, #tpu.memory_space<vmem_shared>>
      %dma_start3A_21 = arith.constant 0 : i32
      %dma_start3A_22 = tpu.memref_slice %arg9[%add3A_4, %dma_start3A_21] : memref<10112x128xf32, #tpu.memory_space<vmem_shared>> -> memref<128x128xf32, #tpu.memory_space<vmem_shared>>
      tpu.enqueue_dma source(%arg8 : memref<128x128xf32, #tpu.memory_space<vmem>>) target(%dma_start3A_22 : memref<128x128xf32, #tpu.memory_space<vmem_shared>>) target_semaphore(%run_scoped3A : memref<!tpu.dma_semaphore, #tpu.memory_space<semaphore_mem>>)
      %dma_wait3A = arith.constant 0 : i32
      %dma_wait3A_23 = tpu.memref_slice %arg9[%add3A_4, %dma_wait3A] : memref<10112x128xf32, #tpu.memory_space<vmem_shared>> -> memref<128x128xf32, #tpu.memory_space<vmem_shared>>
      %dma_wait3A_24 = arith.constant 0 : i32
      %dma_wait3A_25 = tpu.memref_slice %arg9[%add3A_4, %dma_wait3A_24] : memref<10112x128xf32, #tpu.memory_space<vmem_shared>> -> memref<128x128xf32, #tpu.memory_space<vmem_shared>>
      tpu.wait_dma2 semaphore(%run_scoped3A : memref<!tpu.dma_semaphore, #tpu.memory_space<semaphore_mem>>) src(%arg8 : memref<128x128xf32, #tpu.memory_space<vmem>>) dst(%dma_wait3A_25 : memref<128x128xf32, #tpu.memory_space<vmem_shared>>)
      tpu.yield
    }) : () -> ()
    %add3A_5 = arith.constant 128 : i32
    %add3A_6 = arith.addi %mul3A_0, %add3A_5 : i32
    "tpu.region"() ({
      %run_scoped3A = tpu.sem_alloc : memref<!tpu.dma_semaphore, #tpu.memory_space<semaphore_mem>>
      %dma_start3A = arith.constant 0 : i32
      %dma_start3A_20 = tpu.memref_slice %arg9[%add3A_6, %dma_start3A] : memref<10112x128xf32, #tpu.memory_space<vmem_shared>> -> memref<128x128xf32, #tpu.memory_space<vmem_shared>>
      %dma_start3A_21 = arith.constant 0 : i32
      %dma_start3A_22 = tpu.memref_slice %arg9[%add3A_6, %dma_start3A_21] : memref<10112x128xf32, #tpu.memory_space<vmem_shared>> -> memref<128x128xf32, #tpu.memory_space<vmem_shared>>
      tpu.enqueue_dma source(%arg8 : memref<128x128xf32, #tpu.memory_space<vmem>>) target(%dma_start3A_22 : memref<128x128xf32, #tpu.memory_space<vmem_shared>>) target_semaphore(%run_scoped3A : memref<!tpu.dma_semaphore, #tpu.memory_space<semaphore_mem>>)
      %dma_wait3A = arith.constant 0 : i32
      %dma_wait3A_23 = tpu.memref_slice %arg9[%add3A_6, %dma_wait3A] : memref<10112x128xf32, #tpu.memory_space<vmem_shared>> -> memref<128x128xf32, #tpu.memory_space<vmem_shared>>
      %dma_wait3A_24 = arith.constant 0 : i32
      %dma_wait3A_25 = tpu.memref_slice %arg9[%add3A_6, %dma_wait3A_24] : memref<10112x128xf32, #tpu.memory_space<vmem_shared>> -> memref<128x128xf32, #tpu.memory_space<vmem_shared>>
      tpu.wait_dma2 semaphore(%run_scoped3A : memref<!tpu.dma_semaphore, #tpu.memory_space<semaphore_mem>>) src(%arg8 : memref<128x128xf32, #tpu.memory_space<vmem>>) dst(%dma_wait3A_25 : memref<128x128xf32, #tpu.memory_space<vmem_shared>>)
      tpu.yield
    }) : () -> ()
    %add3A_7 = arith.constant 256 : i32
    %add3A_8 = arith.addi %mul3A_0, %add3A_7 : i32
    "tpu.region"() ({
      %run_scoped3A = tpu.sem_alloc : memref<!tpu.dma_semaphore, #tpu.memory_space<semaphore_mem>>
      %dma_start3A = arith.constant 0 : i32
      %dma_start3A_20 = tpu.memref_slice %arg9[%add3A_8, %dma_start3A] : memref<10112x128xf32, #tpu.memory_space<vmem_shared>> -> memref<128x128xf32, #tpu.memory_space<vmem_shared>>
      %dma_start3A_21 = arith.constant 0 : i32
      %dma_start3A_22 = tpu.memref_slice %arg9[%add3A_8, %dma_start3A_21] : memref<10112x128xf32, #tpu.memory_space<vmem_shared>> -> memref<128x128xf32, #tpu.memory_space<vmem_shared>>
      tpu.enqueue_dma source(%arg8 : memref<128x128xf32, #tpu.memory_space<vmem>>) target(%dma_start3A_22 : memref<128x128xf32, #tpu.memory_space<vmem_shared>>) target_semaphore(%run_scoped3A : memref<!tpu.dma_semaphore, #tpu.memory_space<semaphore_mem>>)
      %dma_wait3A = arith.constant 0 : i32
      %dma_wait3A_23 = tpu.memref_slice %arg9[%add3A_8, %dma_wait3A] : memref<10112x128xf32, #tpu.memory_space<vmem_shared>> -> memref<128x128xf32, #tpu.memory_space<vmem_shared>>
      %dma_wait3A_24 = arith.constant 0 : i32
      %dma_wait3A_25 = tpu.memref_slice %arg9[%add3A_8, %dma_wait3A_24] : memref<10112x128xf32, #tpu.memory_space<vmem_shared>> -> memref<128x128xf32, #tpu.memory_space<vmem_shared>>
      tpu.wait_dma2 semaphore(%run_scoped3A : memref<!tpu.dma_semaphore, #tpu.memory_space<semaphore_mem>>) src(%arg8 : memref<128x128xf32, #tpu.memory_space<vmem>>) dst(%dma_wait3A_25 : memref<128x128xf32, #tpu.memory_space<vmem_shared>>)
      tpu.yield
    }) : () -> ()
    %add3A_9 = arith.constant 384 : i32
    %add3A_10 = arith.addi %mul3A_0, %add3A_9 : i32
    "tpu.region"() ({
      %run_scoped3A = tpu.sem_alloc : memref<!tpu.dma_semaphore, #tpu.memory_space<semaphore_mem>>
      %dma_start3A = arith.constant 0 : i32
      %dma_start3A_20 = tpu.memref_slice %arg9[%add3A_10, %dma_start3A] : memref<10112x128xf32, #tpu.memory_space<vmem_shared>> -> memref<128x128xf32, #tpu.memory_space<vmem_shared>>
      %dma_start3A_21 = arith.constant 0 : i32
      %dma_start3A_22 = tpu.memref_slice %arg9[%add3A_10, %dma_start3A_21] : memref<10112x128xf32, #tpu.memory_space<vmem_shared>> -> memref<128x128xf32, #tpu.memory_space<vmem_shared>>
      tpu.enqueue_dma source(%arg8 : memref<128x128xf32, #tpu.memory_space<vmem>>) target(%dma_start3A_22 : memref<128x128xf32, #tpu.memory_space<vmem_shared>>) target_semaphore(%run_scoped3A : memref<!tpu.dma_semaphore, #tpu.memory_space<semaphore_mem>>)
      %dma_wait3A = arith.constant 0 : i32
      %dma_wait3A_23 = tpu.memref_slice %arg9[%add3A_10, %dma_wait3A] : memref<10112x128xf32, #tpu.memory_space<vmem_shared>> -> memref<128x128xf32, #tpu.memory_space<vmem_shared>>
      %dma_wait3A_24 = arith.constant 0 : i32
      %dma_wait3A_25 = tpu.memref_slice %arg9[%add3A_10, %dma_wait3A_24] : memref<10112x128xf32, #tpu.memory_space<vmem_shared>> -> memref<128x128xf32, #tpu.memory_space<vmem_shared>>
      tpu.wait_dma2 semaphore(%run_scoped3A : memref<!tpu.dma_semaphore, #tpu.memory_space<semaphore_mem>>) src(%arg8 : memref<128x128xf32, #tpu.memory_space<vmem>>) dst(%dma_wait3A_25 : memref<128x128xf32, #tpu.memory_space<vmem_shared>>)
      tpu.yield
    }) : () -> ()
    %add3A_11 = arith.constant 632 : i32
    %add3A_12 = arith.addi %mul3A_0, %add3A_11 : i32
    %sub3A = arith.constant 120 : i32
    %sub3A_13 = arith.subi %add3A_12, %sub3A : i32
    "tpu.region"() ({
      %run_scoped3A = tpu.sem_alloc : memref<!tpu.dma_semaphore, #tpu.memory_space<semaphore_mem>>
      %dma_start3A = arith.constant 0 : i32
      %dma_start3A_20 = arith.constant 0 : i32
      %dma_start3A_21 = tpu.memref_slice %arg8[%dma_start3A, %dma_start3A_20] : memref<128x128xf32, #tpu.memory_space<vmem>> -> memref<120x128xf32, #tpu.memory_space<vmem>>
      %dma_start3A_22 = arith.constant 0 : i32
      %dma_start3A_23 = tpu.memref_slice %arg9[%sub3A_13, %dma_start3A_22] : memref<10112x128xf32, #tpu.memory_space<vmem_shared>> -> memref<120x128xf32, #tpu.memory_space<vmem_shared>>
      %dma_start3A_24 = arith.constant 0 : i32
      %dma_start3A_25 = tpu.memref_slice %arg9[%sub3A_13, %dma_start3A_24] : memref<10112x128xf32, #tpu.memory_space<vmem_shared>> -> memref<120x128xf32, #tpu.memory_space<vmem_shared>>
      %dma_start3A_26 = arith.constant 0 : i32
      %dma_start3A_27 = arith.constant 0 : i32
      %dma_start3A_28 = tpu.memref_slice %arg8[%dma_start3A_26, %dma_start3A_27] : memref<128x128xf32, #tpu.memory_space<vmem>> -> memref<120x128xf32, #tpu.memory_space<vmem>>
      tpu.enqueue_dma source(%dma_start3A_28 : memref<120x128xf32, #tpu.memory_space<vmem>>) target(%dma_start3A_25 : memref<120x128xf32, #tpu.memory_space<vmem_shared>>) target_semaphore(%run_scoped3A : memref<!tpu.dma_semaphore, #tpu.memory_space<semaphore_mem>>)
      %dma_wait3A = arith.constant 0 : i32
      %dma_wait3A_29 = arith.constant 0 : i32
      %dma_wait3A_30 = tpu.memref_slice %arg8[%dma_wait3A, %dma_wait3A_29] : memref<128x128xf32, #tpu.memory_space<vmem>> -> memref<120x128xf32, #tpu.memory_space<vmem>>
      %dma_wait3A_31 = arith.constant 0 : i32
      %dma_wait3A_32 = tpu.memref_slice %arg9[%sub3A_13, %dma_wait3A_31] : memref<10112x128xf32, #tpu.memory_space<vmem_shared>> -> memref<120x128xf32, #tpu.memory_space<vmem_shared>>
      %dma_wait3A_33 = arith.constant 0 : i32
      %dma_wait3A_34 = tpu.memref_slice %arg9[%sub3A_13, %dma_wait3A_33] : memref<10112x128xf32, #tpu.memory_space<vmem_shared>> -> memref<120x128xf32, #tpu.memory_space<vmem_shared>>
      %dma_wait3A_35 = arith.constant 0 : i32
      %dma_wait3A_36 = arith.constant 0 : i32
      %dma_wait3A_37 = tpu.memref_slice %arg8[%dma_wait3A_35, %dma_wait3A_36] : memref<128x128xf32, #tpu.memory_space<vmem>> -> memref<120x128xf32, #tpu.memory_space<vmem>>
      tpu.wait_dma2 semaphore(%run_scoped3A : memref<!tpu.dma_semaphore, #tpu.memory_space<semaphore_mem>>) src(%dma_wait3A_37 : memref<120x128xf32, #tpu.memory_space<vmem>>) dst(%dma_wait3A_34 : memref<120x128xf32, #tpu.memory_space<vmem_shared>>)
      tpu.yield
    }) : () -> ()
    %barrier3A = arith.constant 0 : index
    tpu.barrier barrier_id(%barrier3A)
    %scan3A = arith.constant 0 : i32
    %scan3A_14 = arith.constant 0 : i32
    %scan3A_15 = arith.constant 40 : i32
    %scan3A_16 = arith.addi %scan3A_14, %scan3A_15 : i32
    %scan3A_17 = arith.constant 1 : i32
    scf.for %scan3A_20 = %scan3A_14 to %scan3A_16 step %scan3A_17  : i32 {
      %ge3A = arith.constant 4 : i32
      %ge3A_21 = arith.cmpi sge, %scan3A_20, %ge3A : i32
      %convert_element_type3A = arith.extui %ge3A_21 : i1 to i32
      %cond3A = arith.constant 0 : i32
      %cond3A_22 = arith.cmpi ne, %convert_element_type3A, %cond3A : i32
      scf.if %cond3A_22 {
        tpu.wait_dma2 semaphore(%arg10 : memref<!tpu.dma_semaphore, #tpu.memory_space<semaphore_mem>>) src(%arg4 : memref<128x128xf32, #tpu.memory_space<hbm>>) dst(%arg8 : memref<128x128xf32, #tpu.memory_space<vmem>>)
      } else {
      }
      %dma_start3A = arith.constant 0 : i32
      %dma_start3A_23 = tpu.memref_slice %arg6[%scan3A_20, %dma_start3A] : memref<40x128xi32, #tpu.memory_space<vmem>> -> memref<1x128xi32, #tpu.memory_space<vmem>>
      %dma_start3A_24 = tpu.memref_squeeze %dma_start3A_23 : memref<1x128xi32, #tpu.memory_space<vmem>> -> memref<128xi32, #tpu.memory_space<vmem>>
      %dma_start3A_25 = arith.constant 0 : i32
      %dma_start3A_26 = arith.constant 0 : i32
      %dma_start3A_27 = tpu.memref_slice %arg9[%dma_start3A_25, %dma_start3A_26] : memref<10112x128xf32, #tpu.memory_space<vmem_shared>> -> memref<10112x128xf32, #tpu.memory_space<vmem_shared>>
      tpu.enqueue_indirect_dma source(%arg7 : memref<128x128xf32, #tpu.memory_space<vmem>>) target(%dma_start3A_27 : memref<10112x128xf32, #tpu.memory_space<vmem_shared>>) offsets(%dma_start3A_24 : memref<128xi32, #tpu.memory_space<vmem>>) semaphore(%arg10 : memref<!tpu.dma_semaphore, #tpu.memory_space<semaphore_mem>>) {add = true}
    }
    %scan3A_18 = arith.constant 40 : i32
    tpu.wait_dma2 semaphore(%arg10 : memref<!tpu.dma_semaphore, #tpu.memory_space<semaphore_mem>>) src(%arg4 : memref<128x128xf32, #tpu.memory_space<hbm>>) dst(%arg8 : memref<128x128xf32, #tpu.memory_space<vmem>>)
    tpu.wait_dma2 semaphore(%arg10 : memref<!tpu.dma_semaphore, #tpu.memory_space<semaphore_mem>>) src(%arg4 : memref<128x128xf32, #tpu.memory_space<hbm>>) dst(%arg8 : memref<128x128xf32, #tpu.memory_space<vmem>>)
    tpu.wait_dma2 semaphore(%arg10 : memref<!tpu.dma_semaphore, #tpu.memory_space<semaphore_mem>>) src(%arg4 : memref<128x128xf32, #tpu.memory_space<hbm>>) dst(%arg8 : memref<128x128xf32, #tpu.memory_space<vmem>>)
    tpu.wait_dma2 semaphore(%arg10 : memref<!tpu.dma_semaphore, #tpu.memory_space<semaphore_mem>>) src(%arg4 : memref<128x128xf32, #tpu.memory_space<hbm>>) dst(%arg8 : memref<128x128xf32, #tpu.memory_space<vmem>>)
    %barrier3A_19 = arith.constant 0 : index
    tpu.barrier barrier_id(%barrier3A_19)
    "tpu.region"() ({
      %run_scoped3A = tpu.sem_alloc : memref<!tpu.dma_semaphore, #tpu.memory_space<semaphore_mem>>
      %dma_start3A = arith.constant 0 : i32
      %dma_start3A_20 = tpu.memref_slice %arg5[%arg0, %mul3A_0, %dma_start3A] : memref<2x10112x128xf32, #tpu.memory_space<hbm>> -> memref<1x632x128xf32, #tpu.memory_space<hbm>>
      %dma_start3A_21 = tpu.memref_squeeze %dma_start3A_20 : memref<1x632x128xf32, #tpu.memory_space<hbm>> -> memref<632x128xf32, #tpu.memory_space<hbm>>
      %dma_start3A_22 = arith.constant 0 : i32
      %dma_start3A_23 = tpu.memref_slice %arg9[%mul3A_0, %dma_start3A_22] : memref<10112x128xf32, #tpu.memory_space<vmem_shared>> -> memref<632x128xf32, #tpu.memory_space<vmem_shared>>
      tpu.enqueue_dma source(%dma_start3A_23 : memref<632x128xf32, #tpu.memory_space<vmem_shared>>) target(%dma_start3A_21 : memref<632x128xf32, #tpu.memory_space<hbm>>) target_semaphore(%run_scoped3A : memref<!tpu.dma_semaphore, #tpu.memory_space<semaphore_mem>>)
      %dma_wait3A = arith.constant 0 : i32
      %dma_wait3A_24 = tpu.memref_slice %arg5[%arg0, %mul3A_0, %dma_wait3A] : memref<2x10112x128xf32, #tpu.memory_space<hbm>> -> memref<1x632x128xf32, #tpu.memory_space<hbm>>
      %dma_wait3A_25 = tpu.memref_squeeze %dma_wait3A_24 : memref<1x632x128xf32, #tpu.memory_space<hbm>> -> memref<632x128xf32, #tpu.memory_space<hbm>>
      %dma_wait3A_26 = arith.constant 0 : i32
      %dma_wait3A_27 = tpu.memref_slice %arg9[%mul3A_0, %dma_wait3A_26] : memref<10112x128xf32, #tpu.memory_space<vmem_shared>> -> memref<632x128xf32, #tpu.memory_space<vmem_shared>>
      tpu.wait_dma2 semaphore(%run_scoped3A : memref<!tpu.dma_semaphore, #tpu.memory_space<semaphore_mem>>) src(%dma_wait3A_27 : memref<632x128xf32, #tpu.memory_space<vmem_shared>>) dst(%dma_wait3A_25 : memref<632x128xf32, #tpu.memory_space<hbm>>)
      tpu.yield
    }) : () -> ()
    return
  }
}

#map = affine_map<(d0, d1) -> (0, 0, 0, 0)>
#map1 = affine_map<(d0, d1) -> (0, 0)>
#map2 = affine_map<(d0, d1) -> (0, 0, 0)>
module attributes {stable_mosaic.version = 14 : i64} {
  func.func @_scat_body(%arg0: i32, %arg1: i32, %arg2: memref<32x80x2x128xi32, #tpu.memory_space<hbm>>, %arg3: memref<20000x128xf32, #tpu.memory_space<hbm>>, %arg4: memref<128x128xf32, #tpu.memory_space<hbm>>, %arg5: memref<2x10112x128xf32, #tpu.memory_space<hbm>>, %arg6: memref<4x2x128xi32, #tpu.memory_space<vmem>>, %arg7: memref<3x128x128xf32, #tpu.memory_space<vmem>>, %arg8: memref<10112x128xf32, #tpu.memory_space<vmem_shared>>, %arg9: memref<!tpu.dma_semaphore, #tpu.memory_space<semaphore_mem>>, %arg10: memref<!tpu.dma_semaphore, #tpu.memory_space<semaphore_mem>>, %arg11: memref<!tpu.dma_semaphore, #tpu.memory_space<semaphore_mem>>) attributes {dimension_semantics = [#tpu.dimension_semantics<core_parallel>, #tpu.dimension_semantics<subcore_parallel>], iteration_bounds = array<i64: 2, 16>, scalar_prefetch = 0 : i64, scratch_operands = 6 : i64, tpu.core_type = #tpu.core_type<sc_vector_subcore>, window_params = [{transform_indices = #map}, {transform_indices = #map1}, {transform_indices = #map1}, {transform_indices = #map2}]} {
    %mul3A = arith.constant 632 : i32
    %mul3A_0 = arith.muli %arg1, %mul3A : i32
    %mul3A_1 = arith.constant 16 : i32
    %mul3A_2 = arith.muli %arg0, %mul3A_1 : i32
    %add3A = arith.addi %mul3A_2, %arg1 : i32
    %run_scoped3A = arith.constant 0 : i32
    "tpu.region"() ({
      %run_scoped3A_108 = tpu.sem_alloc : memref<!tpu.dma_semaphore, #tpu.memory_space<semaphore_mem>>
      %dma_start3A_109 = arith.constant 0 : i32
      %dma_start3A_110 = arith.constant 0 : i32
      %dma_start3A_111 = tpu.memref_slice %arg7[%run_scoped3A, %dma_start3A_109, %dma_start3A_110] : memref<3x128x128xf32, #tpu.memory_space<vmem>> -> memref<1x128x128xf32, #tpu.memory_space<vmem>>
      %dma_start3A_112 = tpu.memref_squeeze %dma_start3A_111 : memref<1x128x128xf32, #tpu.memory_space<vmem>> -> memref<128x128xf32, #tpu.memory_space<vmem>>
      %dma_start3A_113 = arith.constant 0 : i32
      %dma_start3A_114 = arith.constant 0 : i32
      %dma_start3A_115 = tpu.memref_slice %arg7[%run_scoped3A, %dma_start3A_113, %dma_start3A_114] : memref<3x128x128xf32, #tpu.memory_space<vmem>> -> memref<1x128x128xf32, #tpu.memory_space<vmem>>
      %dma_start3A_116 = tpu.memref_squeeze %dma_start3A_115 : memref<1x128x128xf32, #tpu.memory_space<vmem>> -> memref<128x128xf32, #tpu.memory_space<vmem>>
      tpu.enqueue_dma source(%arg4 : memref<128x128xf32, #tpu.memory_space<hbm>>) target(%dma_start3A_116 : memref<128x128xf32, #tpu.memory_space<vmem>>) target_semaphore(%run_scoped3A_108 : memref<!tpu.dma_semaphore, #tpu.memory_space<semaphore_mem>>)
      %dma_wait3A_117 = arith.constant 0 : i32
      %dma_wait3A_118 = arith.constant 0 : i32
      %dma_wait3A_119 = tpu.memref_slice %arg7[%run_scoped3A, %dma_wait3A_117, %dma_wait3A_118] : memref<3x128x128xf32, #tpu.memory_space<vmem>> -> memref<1x128x128xf32, #tpu.memory_space<vmem>>
      %dma_wait3A_120 = tpu.memref_squeeze %dma_wait3A_119 : memref<1x128x128xf32, #tpu.memory_space<vmem>> -> memref<128x128xf32, #tpu.memory_space<vmem>>
      %dma_wait3A_121 = arith.constant 0 : i32
      %dma_wait3A_122 = arith.constant 0 : i32
      %dma_wait3A_123 = tpu.memref_slice %arg7[%run_scoped3A, %dma_wait3A_121, %dma_wait3A_122] : memref<3x128x128xf32, #tpu.memory_space<vmem>> -> memref<1x128x128xf32, #tpu.memory_space<vmem>>
      %dma_wait3A_124 = tpu.memref_squeeze %dma_wait3A_123 : memref<1x128x128xf32, #tpu.memory_space<vmem>> -> memref<128x128xf32, #tpu.memory_space<vmem>>
      tpu.wait_dma2 semaphore(%run_scoped3A_108 : memref<!tpu.dma_semaphore, #tpu.memory_space<semaphore_mem>>) src(%arg4 : memref<128x128xf32, #tpu.memory_space<hbm>>) dst(%dma_wait3A_124 : memref<128x128xf32, #tpu.memory_space<vmem>>)
      tpu.yield
    }) : () -> ()
    %add3A_3 = arith.constant 0 : i32
    %add3A_4 = arith.addi %mul3A_0, %add3A_3 : i32
    %run_scoped3A_5 = arith.constant 0 : i32
    "tpu.region"() ({
      %run_scoped3A_108 = tpu.sem_alloc : memref<!tpu.dma_semaphore, #tpu.memory_space<semaphore_mem>>
      %dma_start3A_109 = arith.constant 0 : i32
      %dma_start3A_110 = arith.constant 0 : i32
      %dma_start3A_111 = tpu.memref_slice %arg7[%run_scoped3A_5, %dma_start3A_109, %dma_start3A_110] : memref<3x128x128xf32, #tpu.memory_space<vmem>> -> memref<1x128x128xf32, #tpu.memory_space<vmem>>
      %dma_start3A_112 = tpu.memref_squeeze %dma_start3A_111 : memref<1x128x128xf32, #tpu.memory_space<vmem>> -> memref<128x128xf32, #tpu.memory_space<vmem>>
      %dma_start3A_113 = arith.constant 0 : i32
      %dma_start3A_114 = tpu.memref_slice %arg8[%add3A_4, %dma_start3A_113] : memref<10112x128xf32, #tpu.memory_space<vmem_shared>> -> memref<128x128xf32, #tpu.memory_space<vmem_shared>>
      %dma_start3A_115 = arith.constant 0 : i32
      %dma_start3A_116 = tpu.memref_slice %arg8[%add3A_4, %dma_start3A_115] : memref<10112x128xf32, #tpu.memory_space<vmem_shared>> -> memref<128x128xf32, #tpu.memory_space<vmem_shared>>
      %dma_start3A_117 = arith.constant 0 : i32
      %dma_start3A_118 = arith.constant 0 : i32
      %dma_start3A_119 = tpu.memref_slice %arg7[%run_scoped3A_5, %dma_start3A_117, %dma_start3A_118] : memref<3x128x128xf32, #tpu.memory_space<vmem>> -> memref<1x128x128xf32, #tpu.memory_space<vmem>>
      %dma_start3A_120 = tpu.memref_squeeze %dma_start3A_119 : memref<1x128x128xf32, #tpu.memory_space<vmem>> -> memref<128x128xf32, #tpu.memory_space<vmem>>
      tpu.enqueue_dma source(%dma_start3A_120 : memref<128x128xf32, #tpu.memory_space<vmem>>) target(%dma_start3A_116 : memref<128x128xf32, #tpu.memory_space<vmem_shared>>) target_semaphore(%run_scoped3A_108 : memref<!tpu.dma_semaphore, #tpu.memory_space<semaphore_mem>>)
      %dma_wait3A_121 = arith.constant 0 : i32
      %dma_wait3A_122 = arith.constant 0 : i32
      %dma_wait3A_123 = tpu.memref_slice %arg7[%run_scoped3A_5, %dma_wait3A_121, %dma_wait3A_122] : memref<3x128x128xf32, #tpu.memory_space<vmem>> -> memref<1x128x128xf32, #tpu.memory_space<vmem>>
      %dma_wait3A_124 = tpu.memref_squeeze %dma_wait3A_123 : memref<1x128x128xf32, #tpu.memory_space<vmem>> -> memref<128x128xf32, #tpu.memory_space<vmem>>
      %dma_wait3A_125 = arith.constant 0 : i32
      %dma_wait3A_126 = tpu.memref_slice %arg8[%add3A_4, %dma_wait3A_125] : memref<10112x128xf32, #tpu.memory_space<vmem_shared>> -> memref<128x128xf32, #tpu.memory_space<vmem_shared>>
      %dma_wait3A_127 = arith.constant 0 : i32
      %dma_wait3A_128 = tpu.memref_slice %arg8[%add3A_4, %dma_wait3A_127] : memref<10112x128xf32, #tpu.memory_space<vmem_shared>> -> memref<128x128xf32, #tpu.memory_space<vmem_shared>>
      %dma_wait3A_129 = arith.constant 0 : i32
      %dma_wait3A_130 = arith.constant 0 : i32
      %dma_wait3A_131 = tpu.memref_slice %arg7[%run_scoped3A_5, %dma_wait3A_129, %dma_wait3A_130] : memref<3x128x128xf32, #tpu.memory_space<vmem>> -> memref<1x128x128xf32, #tpu.memory_space<vmem>>
      %dma_wait3A_132 = tpu.memref_squeeze %dma_wait3A_131 : memref<1x128x128xf32, #tpu.memory_space<vmem>> -> memref<128x128xf32, #tpu.memory_space<vmem>>
      tpu.wait_dma2 semaphore(%run_scoped3A_108 : memref<!tpu.dma_semaphore, #tpu.memory_space<semaphore_mem>>) src(%dma_wait3A_132 : memref<128x128xf32, #tpu.memory_space<vmem>>) dst(%dma_wait3A_128 : memref<128x128xf32, #tpu.memory_space<vmem_shared>>)
      tpu.yield
    }) : () -> ()
    %add3A_6 = arith.constant 128 : i32
    %add3A_7 = arith.addi %mul3A_0, %add3A_6 : i32
    %run_scoped3A_8 = arith.constant 0 : i32
    "tpu.region"() ({
      %run_scoped3A_108 = tpu.sem_alloc : memref<!tpu.dma_semaphore, #tpu.memory_space<semaphore_mem>>
      %dma_start3A_109 = arith.constant 0 : i32
      %dma_start3A_110 = arith.constant 0 : i32
      %dma_start3A_111 = tpu.memref_slice %arg7[%run_scoped3A_8, %dma_start3A_109, %dma_start3A_110] : memref<3x128x128xf32, #tpu.memory_space<vmem>> -> memref<1x128x128xf32, #tpu.memory_space<vmem>>
      %dma_start3A_112 = tpu.memref_squeeze %dma_start3A_111 : memref<1x128x128xf32, #tpu.memory_space<vmem>> -> memref<128x128xf32, #tpu.memory_space<vmem>>
      %dma_start3A_113 = arith.constant 0 : i32
      %dma_start3A_114 = tpu.memref_slice %arg8[%add3A_7, %dma_start3A_113] : memref<10112x128xf32, #tpu.memory_space<vmem_shared>> -> memref<128x128xf32, #tpu.memory_space<vmem_shared>>
      %dma_start3A_115 = arith.constant 0 : i32
      %dma_start3A_116 = tpu.memref_slice %arg8[%add3A_7, %dma_start3A_115] : memref<10112x128xf32, #tpu.memory_space<vmem_shared>> -> memref<128x128xf32, #tpu.memory_space<vmem_shared>>
      %dma_start3A_117 = arith.constant 0 : i32
      %dma_start3A_118 = arith.constant 0 : i32
      %dma_start3A_119 = tpu.memref_slice %arg7[%run_scoped3A_8, %dma_start3A_117, %dma_start3A_118] : memref<3x128x128xf32, #tpu.memory_space<vmem>> -> memref<1x128x128xf32, #tpu.memory_space<vmem>>
      %dma_start3A_120 = tpu.memref_squeeze %dma_start3A_119 : memref<1x128x128xf32, #tpu.memory_space<vmem>> -> memref<128x128xf32, #tpu.memory_space<vmem>>
      tpu.enqueue_dma source(%dma_start3A_120 : memref<128x128xf32, #tpu.memory_space<vmem>>) target(%dma_start3A_116 : memref<128x128xf32, #tpu.memory_space<vmem_shared>>) target_semaphore(%run_scoped3A_108 : memref<!tpu.dma_semaphore, #tpu.memory_space<semaphore_mem>>)
      %dma_wait3A_121 = arith.constant 0 : i32
      %dma_wait3A_122 = arith.constant 0 : i32
      %dma_wait3A_123 = tpu.memref_slice %arg7[%run_scoped3A_8, %dma_wait3A_121, %dma_wait3A_122] : memref<3x128x128xf32, #tpu.memory_space<vmem>> -> memref<1x128x128xf32, #tpu.memory_space<vmem>>
      %dma_wait3A_124 = tpu.memref_squeeze %dma_wait3A_123 : memref<1x128x128xf32, #tpu.memory_space<vmem>> -> memref<128x128xf32, #tpu.memory_space<vmem>>
      %dma_wait3A_125 = arith.constant 0 : i32
      %dma_wait3A_126 = tpu.memref_slice %arg8[%add3A_7, %dma_wait3A_125] : memref<10112x128xf32, #tpu.memory_space<vmem_shared>> -> memref<128x128xf32, #tpu.memory_space<vmem_shared>>
      %dma_wait3A_127 = arith.constant 0 : i32
      %dma_wait3A_128 = tpu.memref_slice %arg8[%add3A_7, %dma_wait3A_127] : memref<10112x128xf32, #tpu.memory_space<vmem_shared>> -> memref<128x128xf32, #tpu.memory_space<vmem_shared>>
      %dma_wait3A_129 = arith.constant 0 : i32
      %dma_wait3A_130 = arith.constant 0 : i32
      %dma_wait3A_131 = tpu.memref_slice %arg7[%run_scoped3A_8, %dma_wait3A_129, %dma_wait3A_130] : memref<3x128x128xf32, #tpu.memory_space<vmem>> -> memref<1x128x128xf32, #tpu.memory_space<vmem>>
      %dma_wait3A_132 = tpu.memref_squeeze %dma_wait3A_131 : memref<1x128x128xf32, #tpu.memory_space<vmem>> -> memref<128x128xf32, #tpu.memory_space<vmem>>
      tpu.wait_dma2 semaphore(%run_scoped3A_108 : memref<!tpu.dma_semaphore, #tpu.memory_space<semaphore_mem>>) src(%dma_wait3A_132 : memref<128x128xf32, #tpu.memory_space<vmem>>) dst(%dma_wait3A_128 : memref<128x128xf32, #tpu.memory_space<vmem_shared>>)
      tpu.yield
    }) : () -> ()
    %add3A_9 = arith.constant 256 : i32
    %add3A_10 = arith.addi %mul3A_0, %add3A_9 : i32
    %run_scoped3A_11 = arith.constant 0 : i32
    "tpu.region"() ({
      %run_scoped3A_108 = tpu.sem_alloc : memref<!tpu.dma_semaphore, #tpu.memory_space<semaphore_mem>>
      %dma_start3A_109 = arith.constant 0 : i32
      %dma_start3A_110 = arith.constant 0 : i32
      %dma_start3A_111 = tpu.memref_slice %arg7[%run_scoped3A_11, %dma_start3A_109, %dma_start3A_110] : memref<3x128x128xf32, #tpu.memory_space<vmem>> -> memref<1x128x128xf32, #tpu.memory_space<vmem>>
      %dma_start3A_112 = tpu.memref_squeeze %dma_start3A_111 : memref<1x128x128xf32, #tpu.memory_space<vmem>> -> memref<128x128xf32, #tpu.memory_space<vmem>>
      %dma_start3A_113 = arith.constant 0 : i32
      %dma_start3A_114 = tpu.memref_slice %arg8[%add3A_10, %dma_start3A_113] : memref<10112x128xf32, #tpu.memory_space<vmem_shared>> -> memref<128x128xf32, #tpu.memory_space<vmem_shared>>
      %dma_start3A_115 = arith.constant 0 : i32
      %dma_start3A_116 = tpu.memref_slice %arg8[%add3A_10, %dma_start3A_115] : memref<10112x128xf32, #tpu.memory_space<vmem_shared>> -> memref<128x128xf32, #tpu.memory_space<vmem_shared>>
      %dma_start3A_117 = arith.constant 0 : i32
      %dma_start3A_118 = arith.constant 0 : i32
      %dma_start3A_119 = tpu.memref_slice %arg7[%run_scoped3A_11, %dma_start3A_117, %dma_start3A_118] : memref<3x128x128xf32, #tpu.memory_space<vmem>> -> memref<1x128x128xf32, #tpu.memory_space<vmem>>
      %dma_start3A_120 = tpu.memref_squeeze %dma_start3A_119 : memref<1x128x128xf32, #tpu.memory_space<vmem>> -> memref<128x128xf32, #tpu.memory_space<vmem>>
      tpu.enqueue_dma source(%dma_start3A_120 : memref<128x128xf32, #tpu.memory_space<vmem>>) target(%dma_start3A_116 : memref<128x128xf32, #tpu.memory_space<vmem_shared>>) target_semaphore(%run_scoped3A_108 : memref<!tpu.dma_semaphore, #tpu.memory_space<semaphore_mem>>)
      %dma_wait3A_121 = arith.constant 0 : i32
      %dma_wait3A_122 = arith.constant 0 : i32
      %dma_wait3A_123 = tpu.memref_slice %arg7[%run_scoped3A_11, %dma_wait3A_121, %dma_wait3A_122] : memref<3x128x128xf32, #tpu.memory_space<vmem>> -> memref<1x128x128xf32, #tpu.memory_space<vmem>>
      %dma_wait3A_124 = tpu.memref_squeeze %dma_wait3A_123 : memref<1x128x128xf32, #tpu.memory_space<vmem>> -> memref<128x128xf32, #tpu.memory_space<vmem>>
      %dma_wait3A_125 = arith.constant 0 : i32
      %dma_wait3A_126 = tpu.memref_slice %arg8[%add3A_10, %dma_wait3A_125] : memref<10112x128xf32, #tpu.memory_space<vmem_shared>> -> memref<128x128xf32, #tpu.memory_space<vmem_shared>>
      %dma_wait3A_127 = arith.constant 0 : i32
      %dma_wait3A_128 = tpu.memref_slice %arg8[%add3A_10, %dma_wait3A_127] : memref<10112x128xf32, #tpu.memory_space<vmem_shared>> -> memref<128x128xf32, #tpu.memory_space<vmem_shared>>
      %dma_wait3A_129 = arith.constant 0 : i32
      %dma_wait3A_130 = arith.constant 0 : i32
      %dma_wait3A_131 = tpu.memref_slice %arg7[%run_scoped3A_11, %dma_wait3A_129, %dma_wait3A_130] : memref<3x128x128xf32, #tpu.memory_space<vmem>> -> memref<1x128x128xf32, #tpu.memory_space<vmem>>
      %dma_wait3A_132 = tpu.memref_squeeze %dma_wait3A_131 : memref<1x128x128xf32, #tpu.memory_space<vmem>> -> memref<128x128xf32, #tpu.memory_space<vmem>>
      tpu.wait_dma2 semaphore(%run_scoped3A_108 : memref<!tpu.dma_semaphore, #tpu.memory_space<semaphore_mem>>) src(%dma_wait3A_132 : memref<128x128xf32, #tpu.memory_space<vmem>>) dst(%dma_wait3A_128 : memref<128x128xf32, #tpu.memory_space<vmem_shared>>)
      tpu.yield
    }) : () -> ()
    %add3A_12 = arith.constant 384 : i32
    %add3A_13 = arith.addi %mul3A_0, %add3A_12 : i32
    %run_scoped3A_14 = arith.constant 0 : i32
    "tpu.region"() ({
      %run_scoped3A_108 = tpu.sem_alloc : memref<!tpu.dma_semaphore, #tpu.memory_space<semaphore_mem>>
      %dma_start3A_109 = arith.constant 0 : i32
      %dma_start3A_110 = arith.constant 0 : i32
      %dma_start3A_111 = tpu.memref_slice %arg7[%run_scoped3A_14, %dma_start3A_109, %dma_start3A_110] : memref<3x128x128xf32, #tpu.memory_space<vmem>> -> memref<1x128x128xf32, #tpu.memory_space<vmem>>
      %dma_start3A_112 = tpu.memref_squeeze %dma_start3A_111 : memref<1x128x128xf32, #tpu.memory_space<vmem>> -> memref<128x128xf32, #tpu.memory_space<vmem>>
      %dma_start3A_113 = arith.constant 0 : i32
      %dma_start3A_114 = tpu.memref_slice %arg8[%add3A_13, %dma_start3A_113] : memref<10112x128xf32, #tpu.memory_space<vmem_shared>> -> memref<128x128xf32, #tpu.memory_space<vmem_shared>>
      %dma_start3A_115 = arith.constant 0 : i32
      %dma_start3A_116 = tpu.memref_slice %arg8[%add3A_13, %dma_start3A_115] : memref<10112x128xf32, #tpu.memory_space<vmem_shared>> -> memref<128x128xf32, #tpu.memory_space<vmem_shared>>
      %dma_start3A_117 = arith.constant 0 : i32
      %dma_start3A_118 = arith.constant 0 : i32
      %dma_start3A_119 = tpu.memref_slice %arg7[%run_scoped3A_14, %dma_start3A_117, %dma_start3A_118] : memref<3x128x128xf32, #tpu.memory_space<vmem>> -> memref<1x128x128xf32, #tpu.memory_space<vmem>>
      %dma_start3A_120 = tpu.memref_squeeze %dma_start3A_119 : memref<1x128x128xf32, #tpu.memory_space<vmem>> -> memref<128x128xf32, #tpu.memory_space<vmem>>
      tpu.enqueue_dma source(%dma_start3A_120 : memref<128x128xf32, #tpu.memory_space<vmem>>) target(%dma_start3A_116 : memref<128x128xf32, #tpu.memory_space<vmem_shared>>) target_semaphore(%run_scoped3A_108 : memref<!tpu.dma_semaphore, #tpu.memory_space<semaphore_mem>>)
      %dma_wait3A_121 = arith.constant 0 : i32
      %dma_wait3A_122 = arith.constant 0 : i32
      %dma_wait3A_123 = tpu.memref_slice %arg7[%run_scoped3A_14, %dma_wait3A_121, %dma_wait3A_122] : memref<3x128x128xf32, #tpu.memory_space<vmem>> -> memref<1x128x128xf32, #tpu.memory_space<vmem>>
      %dma_wait3A_124 = tpu.memref_squeeze %dma_wait3A_123 : memref<1x128x128xf32, #tpu.memory_space<vmem>> -> memref<128x128xf32, #tpu.memory_space<vmem>>
      %dma_wait3A_125 = arith.constant 0 : i32
      %dma_wait3A_126 = tpu.memref_slice %arg8[%add3A_13, %dma_wait3A_125] : memref<10112x128xf32, #tpu.memory_space<vmem_shared>> -> memref<128x128xf32, #tpu.memory_space<vmem_shared>>
      %dma_wait3A_127 = arith.constant 0 : i32
      %dma_wait3A_128 = tpu.memref_slice %arg8[%add3A_13, %dma_wait3A_127] : memref<10112x128xf32, #tpu.memory_space<vmem_shared>> -> memref<128x128xf32, #tpu.memory_space<vmem_shared>>
      %dma_wait3A_129 = arith.constant 0 : i32
      %dma_wait3A_130 = arith.constant 0 : i32
      %dma_wait3A_131 = tpu.memref_slice %arg7[%run_scoped3A_14, %dma_wait3A_129, %dma_wait3A_130] : memref<3x128x128xf32, #tpu.memory_space<vmem>> -> memref<1x128x128xf32, #tpu.memory_space<vmem>>
      %dma_wait3A_132 = tpu.memref_squeeze %dma_wait3A_131 : memref<1x128x128xf32, #tpu.memory_space<vmem>> -> memref<128x128xf32, #tpu.memory_space<vmem>>
      tpu.wait_dma2 semaphore(%run_scoped3A_108 : memref<!tpu.dma_semaphore, #tpu.memory_space<semaphore_mem>>) src(%dma_wait3A_132 : memref<128x128xf32, #tpu.memory_space<vmem>>) dst(%dma_wait3A_128 : memref<128x128xf32, #tpu.memory_space<vmem_shared>>)
      tpu.yield
    }) : () -> ()
    %add3A_15 = arith.constant 632 : i32
    %add3A_16 = arith.addi %mul3A_0, %add3A_15 : i32
    %sub3A = arith.constant 120 : i32
    %sub3A_17 = arith.subi %add3A_16, %sub3A : i32
    %run_scoped3A_18 = arith.constant 0 : i32
    "tpu.region"() ({
      %run_scoped3A_108 = tpu.sem_alloc : memref<!tpu.dma_semaphore, #tpu.memory_space<semaphore_mem>>
      %dma_start3A_109 = arith.constant 0 : i32
      %dma_start3A_110 = arith.constant 0 : i32
      %dma_start3A_111 = tpu.memref_slice %arg7[%run_scoped3A_18, %dma_start3A_109, %dma_start3A_110] : memref<3x128x128xf32, #tpu.memory_space<vmem>> -> memref<1x120x128xf32, #tpu.memory_space<vmem>>
      %dma_start3A_112 = tpu.memref_squeeze %dma_start3A_111 : memref<1x120x128xf32, #tpu.memory_space<vmem>> -> memref<120x128xf32, #tpu.memory_space<vmem>>
      %dma_start3A_113 = arith.constant 0 : i32
      %dma_start3A_114 = tpu.memref_slice %arg8[%sub3A_17, %dma_start3A_113] : memref<10112x128xf32, #tpu.memory_space<vmem_shared>> -> memref<120x128xf32, #tpu.memory_space<vmem_shared>>
      %dma_start3A_115 = arith.constant 0 : i32
      %dma_start3A_116 = tpu.memref_slice %arg8[%sub3A_17, %dma_start3A_115] : memref<10112x128xf32, #tpu.memory_space<vmem_shared>> -> memref<120x128xf32, #tpu.memory_space<vmem_shared>>
      %dma_start3A_117 = arith.constant 0 : i32
      %dma_start3A_118 = arith.constant 0 : i32
      %dma_start3A_119 = tpu.memref_slice %arg7[%run_scoped3A_18, %dma_start3A_117, %dma_start3A_118] : memref<3x128x128xf32, #tpu.memory_space<vmem>> -> memref<1x120x128xf32, #tpu.memory_space<vmem>>
      %dma_start3A_120 = tpu.memref_squeeze %dma_start3A_119 : memref<1x120x128xf32, #tpu.memory_space<vmem>> -> memref<120x128xf32, #tpu.memory_space<vmem>>
      tpu.enqueue_dma source(%dma_start3A_120 : memref<120x128xf32, #tpu.memory_space<vmem>>) target(%dma_start3A_116 : memref<120x128xf32, #tpu.memory_space<vmem_shared>>) target_semaphore(%run_scoped3A_108 : memref<!tpu.dma_semaphore, #tpu.memory_space<semaphore_mem>>)
      %dma_wait3A_121 = arith.constant 0 : i32
      %dma_wait3A_122 = arith.constant 0 : i32
      %dma_wait3A_123 = tpu.memref_slice %arg7[%run_scoped3A_18, %dma_wait3A_121, %dma_wait3A_122] : memref<3x128x128xf32, #tpu.memory_space<vmem>> -> memref<1x120x128xf32, #tpu.memory_space<vmem>>
      %dma_wait3A_124 = tpu.memref_squeeze %dma_wait3A_123 : memref<1x120x128xf32, #tpu.memory_space<vmem>> -> memref<120x128xf32, #tpu.memory_space<vmem>>
      %dma_wait3A_125 = arith.constant 0 : i32
      %dma_wait3A_126 = tpu.memref_slice %arg8[%sub3A_17, %dma_wait3A_125] : memref<10112x128xf32, #tpu.memory_space<vmem_shared>> -> memref<120x128xf32, #tpu.memory_space<vmem_shared>>
      %dma_wait3A_127 = arith.constant 0 : i32
      %dma_wait3A_128 = tpu.memref_slice %arg8[%sub3A_17, %dma_wait3A_127] : memref<10112x128xf32, #tpu.memory_space<vmem_shared>> -> memref<120x128xf32, #tpu.memory_space<vmem_shared>>
      %dma_wait3A_129 = arith.constant 0 : i32
      %dma_wait3A_130 = arith.constant 0 : i32
      %dma_wait3A_131 = tpu.memref_slice %arg7[%run_scoped3A_18, %dma_wait3A_129, %dma_wait3A_130] : memref<3x128x128xf32, #tpu.memory_space<vmem>> -> memref<1x120x128xf32, #tpu.memory_space<vmem>>
      %dma_wait3A_132 = tpu.memref_squeeze %dma_wait3A_131 : memref<1x120x128xf32, #tpu.memory_space<vmem>> -> memref<120x128xf32, #tpu.memory_space<vmem>>
      tpu.wait_dma2 semaphore(%run_scoped3A_108 : memref<!tpu.dma_semaphore, #tpu.memory_space<semaphore_mem>>) src(%dma_wait3A_132 : memref<120x128xf32, #tpu.memory_space<vmem>>) dst(%dma_wait3A_128 : memref<120x128xf32, #tpu.memory_space<vmem_shared>>)
      tpu.yield
    }) : () -> ()
    %dma_start3A = arith.constant 0 : i32
    %dma_start3A_19 = arith.constant 0 : i32
    %dma_start3A_20 = arith.constant 0 : i32
    %dma_start3A_21 = arith.constant 0 : i32
    %dma_start3A_22 = tpu.memref_slice %arg6[%dma_start3A_19, %dma_start3A_20, %dma_start3A_21] : memref<4x2x128xi32, #tpu.memory_space<vmem>> -> memref<1x2x128xi32, #tpu.memory_space<vmem>>
    %dma_start3A_23 = tpu.memref_squeeze %dma_start3A_22 : memref<1x2x128xi32, #tpu.memory_space<vmem>> -> memref<2x128xi32, #tpu.memory_space<vmem>>
    %dma_start3A_24 = arith.constant 0 : i32
    %dma_start3A_25 = arith.constant 0 : i32
    %dma_start3A_26 = tpu.memref_slice %arg2[%add3A, %dma_start3A, %dma_start3A_24, %dma_start3A_25] : memref<32x80x2x128xi32, #tpu.memory_space<hbm>> -> memref<1x1x2x128xi32, #tpu.memory_space<hbm>>
    %dma_start3A_27 = tpu.memref_squeeze %dma_start3A_26 : memref<1x1x2x128xi32, #tpu.memory_space<hbm>> -> memref<2x128xi32, #tpu.memory_space<hbm>>
    %dma_start3A_28 = arith.constant 0 : i32
    %dma_start3A_29 = arith.constant 0 : i32
    %dma_start3A_30 = tpu.memref_slice %arg6[%dma_start3A_19, %dma_start3A_28, %dma_start3A_29] : memref<4x2x128xi32, #tpu.memory_space<vmem>> -> memref<1x2x128xi32, #tpu.memory_space<vmem>>
    %dma_start3A_31 = tpu.memref_squeeze %dma_start3A_30 : memref<1x2x128xi32, #tpu.memory_space<vmem>> -> memref<2x128xi32, #tpu.memory_space<vmem>>
    %dma_start3A_32 = arith.constant 0 : i32
    %dma_start3A_33 = arith.constant 0 : i32
    %dma_start3A_34 = tpu.memref_slice %arg2[%add3A, %dma_start3A, %dma_start3A_32, %dma_start3A_33] : memref<32x80x2x128xi32, #tpu.memory_space<hbm>> -> memref<1x1x2x128xi32, #tpu.memory_space<hbm>>
    %dma_start3A_35 = tpu.memref_squeeze %dma_start3A_34 : memref<1x1x2x128xi32, #tpu.memory_space<hbm>> -> memref<2x128xi32, #tpu.memory_space<hbm>>
    tpu.enqueue_dma source(%dma_start3A_35 : memref<2x128xi32, #tpu.memory_space<hbm>>) target(%dma_start3A_31 : memref<2x128xi32, #tpu.memory_space<vmem>>) target_semaphore(%arg9 : memref<!tpu.dma_semaphore, #tpu.memory_space<semaphore_mem>>)
    %dma_start3A_36 = arith.constant 1 : i32
    %dma_start3A_37 = arith.constant 1 : i32
    %dma_start3A_38 = arith.constant 0 : i32
    %dma_start3A_39 = arith.constant 0 : i32
    %dma_start3A_40 = tpu.memref_slice %arg6[%dma_start3A_37, %dma_start3A_38, %dma_start3A_39] : memref<4x2x128xi32, #tpu.memory_space<vmem>> -> memref<1x2x128xi32, #tpu.memory_space<vmem>>
    %dma_start3A_41 = tpu.memref_squeeze %dma_start3A_40 : memref<1x2x128xi32, #tpu.memory_space<vmem>> -> memref<2x128xi32, #tpu.memory_space<vmem>>
    %dma_start3A_42 = arith.constant 0 : i32
    %dma_start3A_43 = arith.constant 0 : i32
    %dma_start3A_44 = tpu.memref_slice %arg2[%add3A, %dma_start3A_36, %dma_start3A_42, %dma_start3A_43] : memref<32x80x2x128xi32, #tpu.memory_space<hbm>> -> memref<1x1x2x128xi32, #tpu.memory_space<hbm>>
    %dma_start3A_45 = tpu.memref_squeeze %dma_start3A_44 : memref<1x1x2x128xi32, #tpu.memory_space<hbm>> -> memref<2x128xi32, #tpu.memory_space<hbm>>
    %dma_start3A_46 = arith.constant 0 : i32
    %dma_start3A_47 = arith.constant 0 : i32
    %dma_start3A_48 = tpu.memref_slice %arg6[%dma_start3A_37, %dma_start3A_46, %dma_start3A_47] : memref<4x2x128xi32, #tpu.memory_space<vmem>> -> memref<1x2x128xi32, #tpu.memory_space<vmem>>
    %dma_start3A_49 = tpu.memref_squeeze %dma_start3A_48 : memref<1x2x128xi32, #tpu.memory_space<vmem>> -> memref<2x128xi32, #tpu.memory_space<vmem>>
    %dma_start3A_50 = arith.constant 0 : i32
    %dma_start3A_51 = arith.constant 0 : i32
    %dma_start3A_52 = tpu.memref_slice %arg2[%add3A, %dma_start3A_36, %dma_start3A_50, %dma_start3A_51] : memref<32x80x2x128xi32, #tpu.memory_space<hbm>> -> memref<1x1x2x128xi32, #tpu.memory_space<hbm>>
    %dma_start3A_53 = tpu.memref_squeeze %dma_start3A_52 : memref<1x1x2x128xi32, #tpu.memory_space<hbm>> -> memref<2x128xi32, #tpu.memory_space<hbm>>
    tpu.enqueue_dma source(%dma_start3A_53 : memref<2x128xi32, #tpu.memory_space<hbm>>) target(%dma_start3A_49 : memref<2x128xi32, #tpu.memory_space<vmem>>) target_semaphore(%arg9 : memref<!tpu.dma_semaphore, #tpu.memory_space<semaphore_mem>>)
    %barrier3A = arith.constant 0 : index
    tpu.barrier barrier_id(%barrier3A)
    %dma_wait3A = arith.constant 0 : i32
    %dma_wait3A_54 = arith.constant 0 : i32
    %dma_wait3A_55 = arith.constant 0 : i32
    %dma_wait3A_56 = arith.constant 0 : i32
    %dma_wait3A_57 = tpu.memref_slice %arg6[%dma_wait3A_54, %dma_wait3A_55, %dma_wait3A_56] : memref<4x2x128xi32, #tpu.memory_space<vmem>> -> memref<1x2x128xi32, #tpu.memory_space<vmem>>
    %dma_wait3A_58 = tpu.memref_squeeze %dma_wait3A_57 : memref<1x2x128xi32, #tpu.memory_space<vmem>> -> memref<2x128xi32, #tpu.memory_space<vmem>>
    %dma_wait3A_59 = arith.constant 0 : i32
    %dma_wait3A_60 = arith.constant 0 : i32
    %dma_wait3A_61 = tpu.memref_slice %arg2[%add3A, %dma_wait3A, %dma_wait3A_59, %dma_wait3A_60] : memref<32x80x2x128xi32, #tpu.memory_space<hbm>> -> memref<1x1x2x128xi32, #tpu.memory_space<hbm>>
    %dma_wait3A_62 = tpu.memref_squeeze %dma_wait3A_61 : memref<1x1x2x128xi32, #tpu.memory_space<hbm>> -> memref<2x128xi32, #tpu.memory_space<hbm>>
    %dma_wait3A_63 = arith.constant 0 : i32
    %dma_wait3A_64 = arith.constant 0 : i32
    %dma_wait3A_65 = tpu.memref_slice %arg6[%dma_wait3A_54, %dma_wait3A_63, %dma_wait3A_64] : memref<4x2x128xi32, #tpu.memory_space<vmem>> -> memref<1x2x128xi32, #tpu.memory_space<vmem>>
    %dma_wait3A_66 = tpu.memref_squeeze %dma_wait3A_65 : memref<1x2x128xi32, #tpu.memory_space<vmem>> -> memref<2x128xi32, #tpu.memory_space<vmem>>
    %dma_wait3A_67 = arith.constant 0 : i32
    %dma_wait3A_68 = arith.constant 0 : i32
    %dma_wait3A_69 = tpu.memref_slice %arg2[%add3A, %dma_wait3A, %dma_wait3A_67, %dma_wait3A_68] : memref<32x80x2x128xi32, #tpu.memory_space<hbm>> -> memref<1x1x2x128xi32, #tpu.memory_space<hbm>>
    %dma_wait3A_70 = tpu.memref_squeeze %dma_wait3A_69 : memref<1x1x2x128xi32, #tpu.memory_space<hbm>> -> memref<2x128xi32, #tpu.memory_space<hbm>>
    tpu.wait_dma2 semaphore(%arg9 : memref<!tpu.dma_semaphore, #tpu.memory_space<semaphore_mem>>) src(%dma_wait3A_70 : memref<2x128xi32, #tpu.memory_space<hbm>>) dst(%dma_wait3A_66 : memref<2x128xi32, #tpu.memory_space<vmem>>)
    %dma_start3A_71 = arith.constant 0 : i32
    %dma_start3A_72 = arith.constant 0 : i32
    %dma_start3A_73 = arith.constant 0 : i32
    %dma_start3A_74 = arith.constant 0 : i32
    %dma_start3A_75 = arith.constant 0 : i32
    %dma_start3A_76 = tpu.memref_slice %arg7[%dma_start3A_73, %dma_start3A_74, %dma_start3A_75] : memref<3x128x128xf32, #tpu.memory_space<vmem>> -> memref<1x128x128xf32, #tpu.memory_space<vmem>>
    %dma_start3A_77 = tpu.memref_squeeze %dma_start3A_76 : memref<1x128x128xf32, #tpu.memory_space<vmem>> -> memref<128x128xf32, #tpu.memory_space<vmem>>
    %dma_start3A_78 = arith.constant 0 : i32
    %dma_start3A_79 = tpu.memref_slice %arg6[%dma_start3A_71, %dma_start3A_72, %dma_start3A_78] : memref<4x2x128xi32, #tpu.memory_space<vmem>> -> memref<1x1x128xi32, #tpu.memory_space<vmem>>
    %dma_start3A_80 = tpu.memref_squeeze %dma_start3A_79 : memref<1x1x128xi32, #tpu.memory_space<vmem>> -> memref<128xi32, #tpu.memory_space<vmem>>
    %dma_start3A_81 = arith.constant 0 : i32
    %dma_start3A_82 = arith.constant 0 : i32
    %dma_start3A_83 = tpu.memref_slice %arg3[%dma_start3A_81, %dma_start3A_82] : memref<20000x128xf32, #tpu.memory_space<hbm>> -> memref<20000x128xf32, #tpu.memory_space<hbm>>
    tpu.enqueue_indirect_dma source(%dma_start3A_83 : memref<20000x128xf32, #tpu.memory_space<hbm>>) target(%dma_start3A_77 : memref<128x128xf32, #tpu.memory_space<vmem>>) offsets(%dma_start3A_80 : memref<128xi32, #tpu.memory_space<vmem>>) semaphore(%arg10 : memref<!tpu.dma_semaphore, #tpu.memory_space<semaphore_mem>>)
    %scan3A = arith.constant 0 : i32
    %scan3A_84 = arith.constant 0 : i32
    %scan3A_85 = arith.constant 80 : i32
    %scan3A_86 = arith.addi %scan3A_84, %scan3A_85 : i32
    %scan3A_87 = arith.constant 1 : i32
    scf.for %scan3A_108 = %scan3A_84 to %scan3A_86 step %scan3A_87  : i32 {
      %rem3A = arith.constant 3 : i32
      %rem3A_109 = arith.remsi %scan3A_108, %rem3A : i32
      %add3A_110 = arith.constant 1 : i32
      %add3A_111 = arith.addi %scan3A_108, %add3A_110 : i32
      %rem3A_112 = arith.constant 3 : i32
      %rem3A_113 = arith.remsi %add3A_111, %rem3A_112 : i32
      %ge3A = arith.constant 2 : i32
      %ge3A_114 = arith.cmpi sge, %scan3A_108, %ge3A : i32
      %convert_element_type3A = arith.extui %ge3A_114 : i1 to i32
      %cond3A = arith.constant 0 : i32
      %cond3A_115 = arith.cmpi ne, %convert_element_type3A, %cond3A : i32
      scf.if %cond3A_115 {
        %dma_wait3A_146 = arith.constant 0 : i32
        %dma_wait3A_147 = arith.constant 0 : i32
        %dma_wait3A_148 = tpu.memref_slice %arg7[%rem3A_113, %dma_wait3A_146, %dma_wait3A_147] : memref<3x128x128xf32, #tpu.memory_space<vmem>> -> memref<1x128x128xf32, #tpu.memory_space<vmem>>
        %dma_wait3A_149 = tpu.memref_squeeze %dma_wait3A_148 : memref<1x128x128xf32, #tpu.memory_space<vmem>> -> memref<128x128xf32, #tpu.memory_space<vmem>>
        %dma_wait3A_150 = arith.constant 0 : i32
        %dma_wait3A_151 = arith.constant 0 : i32
        %dma_wait3A_152 = tpu.memref_slice %arg7[%rem3A_113, %dma_wait3A_150, %dma_wait3A_151] : memref<3x128x128xf32, #tpu.memory_space<vmem>> -> memref<1x128x128xf32, #tpu.memory_space<vmem>>
        %dma_wait3A_153 = tpu.memref_squeeze %dma_wait3A_152 : memref<1x128x128xf32, #tpu.memory_space<vmem>> -> memref<128x128xf32, #tpu.memory_space<vmem>>
        tpu.wait_dma2 semaphore(%arg11 : memref<!tpu.dma_semaphore, #tpu.memory_space<semaphore_mem>>) src(%arg4 : memref<128x128xf32, #tpu.memory_space<hbm>>) dst(%dma_wait3A_153 : memref<128x128xf32, #tpu.memory_space<vmem>>)
      } else {
      }
      %lt3A = arith.constant 78 : i32
      %lt3A_116 = arith.cmpi slt, %scan3A_108, %lt3A : i32
      %convert_element_type3A_117 = arith.extui %lt3A_116 : i1 to i32
      %cond3A_118 = arith.constant 0 : i32
      %cond3A_119 = arith.cmpi ne, %convert_element_type3A_117, %cond3A_118 : i32
      scf.if %cond3A_119 {
        %add3A_146 = arith.constant 2 : i32
        %add3A_147 = arith.addi %scan3A_108, %add3A_146 : i32
        %add3A_148 = arith.constant 2 : i32
        %add3A_149 = arith.addi %scan3A_108, %add3A_148 : i32
        %rem3A_150 = arith.constant 4 : i32
        %rem3A_151 = arith.remsi %add3A_149, %rem3A_150 : i32
        %dma_start3A_152 = arith.constant 0 : i32
        %dma_start3A_153 = arith.constant 0 : i32
        %dma_start3A_154 = tpu.memref_slice %arg6[%rem3A_151, %dma_start3A_152, %dma_start3A_153] : memref<4x2x128xi32, #tpu.memory_space<vmem>> -> memref<1x2x128xi32, #tpu.memory_space<vmem>>
        %dma_start3A_155 = tpu.memref_squeeze %dma_start3A_154 : memref<1x2x128xi32, #tpu.memory_space<vmem>> -> memref<2x128xi32, #tpu.memory_space<vmem>>
        %dma_start3A_156 = arith.constant 0 : i32
        %dma_start3A_157 = arith.constant 0 : i32
        %dma_start3A_158 = tpu.memref_slice %arg2[%add3A, %add3A_147, %dma_start3A_156, %dma_start3A_157] : memref<32x80x2x128xi32, #tpu.memory_space<hbm>> -> memref<1x1x2x128xi32, #tpu.memory_space<hbm>>
        %dma_start3A_159 = tpu.memref_squeeze %dma_start3A_158 : memref<1x1x2x128xi32, #tpu.memory_space<hbm>> -> memref<2x128xi32, #tpu.memory_space<hbm>>
        %dma_start3A_160 = arith.constant 0 : i32
        %dma_start3A_161 = arith.constant 0 : i32
        %dma_start3A_162 = tpu.memref_slice %arg6[%rem3A_151, %dma_start3A_160, %dma_start3A_161] : memref<4x2x128xi32, #tpu.memory_space<vmem>> -> memref<1x2x128xi32, #tpu.memory_space<vmem>>
        %dma_start3A_163 = tpu.memref_squeeze %dma_start3A_162 : memref<1x2x128xi32, #tpu.memory_space<vmem>> -> memref<2x128xi32, #tpu.memory_space<vmem>>
        %dma_start3A_164 = arith.constant 0 : i32
        %dma_start3A_165 = arith.constant 0 : i32
        %dma_start3A_166 = tpu.memref_slice %arg2[%add3A, %add3A_147, %dma_start3A_164, %dma_start3A_165] : memref<32x80x2x128xi32, #tpu.memory_space<hbm>> -> memref<1x1x2x128xi32, #tpu.memory_space<hbm>>
        %dma_start3A_167 = tpu.memref_squeeze %dma_start3A_166 : memref<1x1x2x128xi32, #tpu.memory_space<hbm>> -> memref<2x128xi32, #tpu.memory_space<hbm>>
        tpu.enqueue_dma source(%dma_start3A_167 : memref<2x128xi32, #tpu.memory_space<hbm>>) target(%dma_start3A_163 : memref<2x128xi32, #tpu.memory_space<vmem>>) target_semaphore(%arg9 : memref<!tpu.dma_semaphore, #tpu.memory_space<semaphore_mem>>)
      } else {
      }
      %lt3A_120 = arith.constant 79 : i32
      %lt3A_121 = arith.cmpi slt, %scan3A_108, %lt3A_120 : i32
      %convert_element_type3A_122 = arith.extui %lt3A_121 : i1 to i32
      %cond3A_123 = arith.constant 0 : i32
      %cond3A_124 = arith.cmpi ne, %convert_element_type3A_122, %cond3A_123 : i32
      scf.if %cond3A_124 {
        %dma_wait3A_146 = arith.constant 0 : i32
        %dma_wait3A_147 = arith.constant 0 : i32
        %dma_wait3A_148 = arith.constant 0 : i32
        %dma_wait3A_149 = arith.constant 0 : i32
        %dma_wait3A_150 = tpu.memref_slice %arg6[%dma_wait3A_147, %dma_wait3A_148, %dma_wait3A_149] : memref<4x2x128xi32, #tpu.memory_space<vmem>> -> memref<1x2x128xi32, #tpu.memory_space<vmem>>
        %dma_wait3A_151 = tpu.memref_squeeze %dma_wait3A_150 : memref<1x2x128xi32, #tpu.memory_space<vmem>> -> memref<2x128xi32, #tpu.memory_space<vmem>>
        %dma_wait3A_152 = arith.constant 0 : i32
        %dma_wait3A_153 = arith.constant 0 : i32
        %dma_wait3A_154 = tpu.memref_slice %arg2[%add3A, %dma_wait3A_146, %dma_wait3A_152, %dma_wait3A_153] : memref<32x80x2x128xi32, #tpu.memory_space<hbm>> -> memref<1x1x2x128xi32, #tpu.memory_space<hbm>>
        %dma_wait3A_155 = tpu.memref_squeeze %dma_wait3A_154 : memref<1x1x2x128xi32, #tpu.memory_space<hbm>> -> memref<2x128xi32, #tpu.memory_space<hbm>>
        %dma_wait3A_156 = arith.constant 0 : i32
        %dma_wait3A_157 = arith.constant 0 : i32
        %dma_wait3A_158 = tpu.memref_slice %arg6[%dma_wait3A_147, %dma_wait3A_156, %dma_wait3A_157] : memref<4x2x128xi32, #tpu.memory_space<vmem>> -> memref<1x2x128xi32, #tpu.memory_space<vmem>>
        %dma_wait3A_159 = tpu.memref_squeeze %dma_wait3A_158 : memref<1x2x128xi32, #tpu.memory_space<vmem>> -> memref<2x128xi32, #tpu.memory_space<vmem>>
        %dma_wait3A_160 = arith.constant 0 : i32
        %dma_wait3A_161 = arith.constant 0 : i32
        %dma_wait3A_162 = tpu.memref_slice %arg2[%add3A, %dma_wait3A_146, %dma_wait3A_160, %dma_wait3A_161] : memref<32x80x2x128xi32, #tpu.memory_space<hbm>> -> memref<1x1x2x128xi32, #tpu.memory_space<hbm>>
        %dma_wait3A_163 = tpu.memref_squeeze %dma_wait3A_162 : memref<1x1x2x128xi32, #tpu.memory_space<hbm>> -> memref<2x128xi32, #tpu.memory_space<hbm>>
        tpu.wait_dma2 semaphore(%arg9 : memref<!tpu.dma_semaphore, #tpu.memory_space<semaphore_mem>>) src(%dma_wait3A_163 : memref<2x128xi32, #tpu.memory_space<hbm>>) dst(%dma_wait3A_159 : memref<2x128xi32, #tpu.memory_space<vmem>>)
        %add3A_164 = arith.constant 1 : i32
        %add3A_165 = arith.addi %scan3A_108, %add3A_164 : i32
        %rem3A_166 = arith.constant 4 : i32
        %rem3A_167 = arith.remsi %add3A_165, %rem3A_166 : i32
        %dma_start3A_168 = arith.constant 0 : i32
        %dma_start3A_169 = arith.constant 0 : i32
        %dma_start3A_170 = arith.constant 0 : i32
        %dma_start3A_171 = tpu.memref_slice %arg7[%rem3A_113, %dma_start3A_169, %dma_start3A_170] : memref<3x128x128xf32, #tpu.memory_space<vmem>> -> memref<1x128x128xf32, #tpu.memory_space<vmem>>
        %dma_start3A_172 = tpu.memref_squeeze %dma_start3A_171 : memref<1x128x128xf32, #tpu.memory_space<vmem>> -> memref<128x128xf32, #tpu.memory_space<vmem>>
        %dma_start3A_173 = arith.constant 0 : i32
        %dma_start3A_174 = tpu.memref_slice %arg6[%rem3A_167, %dma_start3A_168, %dma_start3A_173] : memref<4x2x128xi32, #tpu.memory_space<vmem>> -> memref<1x1x128xi32, #tpu.memory_space<vmem>>
        %dma_start3A_175 = tpu.memref_squeeze %dma_start3A_174 : memref<1x1x128xi32, #tpu.memory_space<vmem>> -> memref<128xi32, #tpu.memory_space<vmem>>
        %dma_start3A_176 = arith.constant 0 : i32
        %dma_start3A_177 = arith.constant 0 : i32
        %dma_start3A_178 = tpu.memref_slice %arg3[%dma_start3A_176, %dma_start3A_177] : memref<20000x128xf32, #tpu.memory_space<hbm>> -> memref<20000x128xf32, #tpu.memory_space<hbm>>
        tpu.enqueue_indirect_dma source(%dma_start3A_178 : memref<20000x128xf32, #tpu.memory_space<hbm>>) target(%dma_start3A_172 : memref<128x128xf32, #tpu.memory_space<vmem>>) offsets(%dma_start3A_175 : memref<128xi32, #tpu.memory_space<vmem>>) semaphore(%arg10 : memref<!tpu.dma_semaphore, #tpu.memory_space<semaphore_mem>>)
      } else {
      }
      %dma_wait3A_125 = arith.constant 0 : i32
      %dma_wait3A_126 = arith.constant 0 : i32
      %dma_wait3A_127 = tpu.memref_slice %arg7[%rem3A_109, %dma_wait3A_125, %dma_wait3A_126] : memref<3x128x128xf32, #tpu.memory_space<vmem>> -> memref<1x128x128xf32, #tpu.memory_space<vmem>>
      %dma_wait3A_128 = tpu.memref_squeeze %dma_wait3A_127 : memref<1x128x128xf32, #tpu.memory_space<vmem>> -> memref<128x128xf32, #tpu.memory_space<vmem>>
      %dma_wait3A_129 = arith.constant 0 : i32
      %dma_wait3A_130 = arith.constant 0 : i32
      %dma_wait3A_131 = tpu.memref_slice %arg7[%rem3A_109, %dma_wait3A_129, %dma_wait3A_130] : memref<3x128x128xf32, #tpu.memory_space<vmem>> -> memref<1x128x128xf32, #tpu.memory_space<vmem>>
      %dma_wait3A_132 = tpu.memref_squeeze %dma_wait3A_131 : memref<1x128x128xf32, #tpu.memory_space<vmem>> -> memref<128x128xf32, #tpu.memory_space<vmem>>
      tpu.wait_dma2 semaphore(%arg10 : memref<!tpu.dma_semaphore, #tpu.memory_space<semaphore_mem>>) src(%arg4 : memref<128x128xf32, #tpu.memory_space<hbm>>) dst(%dma_wait3A_132 : memref<128x128xf32, #tpu.memory_space<vmem>>)
      %rem3A_133 = arith.constant 4 : i32
      %rem3A_134 = arith.remsi %scan3A_108, %rem3A_133 : i32
      %dma_start3A_135 = arith.constant 1 : i32
      %dma_start3A_136 = arith.constant 0 : i32
      %dma_start3A_137 = arith.constant 0 : i32
      %dma_start3A_138 = tpu.memref_slice %arg7[%rem3A_109, %dma_start3A_136, %dma_start3A_137] : memref<3x128x128xf32, #tpu.memory_space<vmem>> -> memref<1x128x128xf32, #tpu.memory_space<vmem>>
      %dma_start3A_139 = tpu.memref_squeeze %dma_start3A_138 : memref<1x128x128xf32, #tpu.memory_space<vmem>> -> memref<128x128xf32, #tpu.memory_space<vmem>>
      %dma_start3A_140 = arith.constant 0 : i32
      %dma_start3A_141 = tpu.memref_slice %arg6[%rem3A_134, %dma_start3A_135, %dma_start3A_140] : memref<4x2x128xi32, #tpu.memory_space<vmem>> -> memref<1x1x128xi32, #tpu.memory_space<vmem>>
      %dma_start3A_142 = tpu.memref_squeeze %dma_start3A_141 : memref<1x1x128xi32, #tpu.memory_space<vmem>> -> memref<128xi32, #tpu.memory_space<vmem>>
      %dma_start3A_143 = arith.constant 0 : i32
      %dma_start3A_144 = arith.constant 0 : i32
      %dma_start3A_145 = tpu.memref_slice %arg8[%dma_start3A_143, %dma_start3A_144] : memref<10112x128xf32, #tpu.memory_space<vmem_shared>> -> memref<10112x128xf32, #tpu.memory_space<vmem_shared>>
      tpu.enqueue_indirect_dma source(%dma_start3A_139 : memref<128x128xf32, #tpu.memory_space<vmem>>) target(%dma_start3A_145 : memref<10112x128xf32, #tpu.memory_space<vmem_shared>>) offsets(%dma_start3A_142 : memref<128xi32, #tpu.memory_space<vmem>>) semaphore(%arg11 : memref<!tpu.dma_semaphore, #tpu.memory_space<semaphore_mem>>) {add = true}
    }
    %scan3A_88 = arith.constant 80 : i32
    %dma_wait3A_89 = arith.constant 0 : i32
    %dma_wait3A_90 = arith.constant 0 : i32
    %dma_wait3A_91 = arith.constant 0 : i32
    %dma_wait3A_92 = tpu.memref_slice %arg7[%dma_wait3A_89, %dma_wait3A_90, %dma_wait3A_91] : memref<3x128x128xf32, #tpu.memory_space<vmem>> -> memref<1x128x128xf32, #tpu.memory_space<vmem>>
    %dma_wait3A_93 = tpu.memref_squeeze %dma_wait3A_92 : memref<1x128x128xf32, #tpu.memory_space<vmem>> -> memref<128x128xf32, #tpu.memory_space<vmem>>
    %dma_wait3A_94 = arith.constant 0 : i32
    %dma_wait3A_95 = arith.constant 0 : i32
    %dma_wait3A_96 = tpu.memref_slice %arg7[%dma_wait3A_89, %dma_wait3A_94, %dma_wait3A_95] : memref<3x128x128xf32, #tpu.memory_space<vmem>> -> memref<1x128x128xf32, #tpu.memory_space<vmem>>
    %dma_wait3A_97 = tpu.memref_squeeze %dma_wait3A_96 : memref<1x128x128xf32, #tpu.memory_space<vmem>> -> memref<128x128xf32, #tpu.memory_space<vmem>>
    tpu.wait_dma2 semaphore(%arg11 : memref<!tpu.dma_semaphore, #tpu.memory_space<semaphore_mem>>) src(%arg4 : memref<128x128xf32, #tpu.memory_space<hbm>>) dst(%dma_wait3A_97 : memref<128x128xf32, #tpu.memory_space<vmem>>)
    %dma_wait3A_98 = arith.constant 0 : i32
    %dma_wait3A_99 = arith.constant 0 : i32
    %dma_wait3A_100 = arith.constant 0 : i32
    %dma_wait3A_101 = tpu.memref_slice %arg7[%dma_wait3A_98, %dma_wait3A_99, %dma_wait3A_100] : memref<3x128x128xf32, #tpu.memory_space<vmem>> -> memref<1x128x128xf32, #tpu.memory_space<vmem>>
    %dma_wait3A_102 = tpu.memref_squeeze %dma_wait3A_101 : memref<1x128x128xf32, #tpu.memory_space<vmem>> -> memref<128x128xf32, #tpu.memory_space<vmem>>
    %dma_wait3A_103 = arith.constant 0 : i32
    %dma_wait3A_104 = arith.constant 0 : i32
    %dma_wait3A_105 = tpu.memref_slice %arg7[%dma_wait3A_98, %dma_wait3A_103, %dma_wait3A_104] : memref<3x128x128xf32, #tpu.memory_space<vmem>> -> memref<1x128x128xf32, #tpu.memory_space<vmem>>
    %dma_wait3A_106 = tpu.memref_squeeze %dma_wait3A_105 : memref<1x128x128xf32, #tpu.memory_space<vmem>> -> memref<128x128xf32, #tpu.memory_space<vmem>>
    tpu.wait_dma2 semaphore(%arg11 : memref<!tpu.dma_semaphore, #tpu.memory_space<semaphore_mem>>) src(%arg4 : memref<128x128xf32, #tpu.memory_space<hbm>>) dst(%dma_wait3A_106 : memref<128x128xf32, #tpu.memory_space<vmem>>)
    %barrier3A_107 = arith.constant 0 : index
    tpu.barrier barrier_id(%barrier3A_107)
    "tpu.region"() ({
      %run_scoped3A_108 = tpu.sem_alloc : memref<!tpu.dma_semaphore, #tpu.memory_space<semaphore_mem>>
      %dma_start3A_109 = arith.constant 0 : i32
      %dma_start3A_110 = tpu.memref_slice %arg5[%arg0, %mul3A_0, %dma_start3A_109] : memref<2x10112x128xf32, #tpu.memory_space<hbm>> -> memref<1x632x128xf32, #tpu.memory_space<hbm>>
      %dma_start3A_111 = tpu.memref_squeeze %dma_start3A_110 : memref<1x632x128xf32, #tpu.memory_space<hbm>> -> memref<632x128xf32, #tpu.memory_space<hbm>>
      %dma_start3A_112 = arith.constant 0 : i32
      %dma_start3A_113 = tpu.memref_slice %arg8[%mul3A_0, %dma_start3A_112] : memref<10112x128xf32, #tpu.memory_space<vmem_shared>> -> memref<632x128xf32, #tpu.memory_space<vmem_shared>>
      tpu.enqueue_dma source(%dma_start3A_113 : memref<632x128xf32, #tpu.memory_space<vmem_shared>>) target(%dma_start3A_111 : memref<632x128xf32, #tpu.memory_space<hbm>>) target_semaphore(%run_scoped3A_108 : memref<!tpu.dma_semaphore, #tpu.memory_space<semaphore_mem>>)
      %dma_wait3A_114 = arith.constant 0 : i32
      %dma_wait3A_115 = tpu.memref_slice %arg5[%arg0, %mul3A_0, %dma_wait3A_114] : memref<2x10112x128xf32, #tpu.memory_space<hbm>> -> memref<1x632x128xf32, #tpu.memory_space<hbm>>
      %dma_wait3A_116 = tpu.memref_squeeze %dma_wait3A_115 : memref<1x632x128xf32, #tpu.memory_space<hbm>> -> memref<632x128xf32, #tpu.memory_space<hbm>>
      %dma_wait3A_117 = arith.constant 0 : i32
      %dma_wait3A_118 = tpu.memref_slice %arg8[%mul3A_0, %dma_wait3A_117] : memref<10112x128xf32, #tpu.memory_space<vmem_shared>> -> memref<632x128xf32, #tpu.memory_space<vmem_shared>>
      tpu.wait_dma2 semaphore(%run_scoped3A_108 : memref<!tpu.dma_semaphore, #tpu.memory_space<semaphore_mem>>) src(%dma_wait3A_118 : memref<632x128xf32, #tpu.memory_space<vmem_shared>>) dst(%dma_wait3A_116 : memref<632x128xf32, #tpu.memory_space<hbm>>)
      tpu.yield
    }) : () -> ()
    return
  }
}

module attributes {stable_mosaic.version = 14 : i64} {
  func.func @_prep_body(%arg0: i32, %arg1: memref<1000x256xf32, #tpu.memory_space<vmem>>, %arg2: memref<256x256xf32, #tpu.memory_space<vmem>>, %arg3: memref<2x1000x128xf32, #tpu.memory_space<vmem>>, %arg4: memref<2x1000x128xf32, #tpu.memory_space<vmem>>) attributes {dimension_semantics = [#tpu.dimension_semantics<arbitrary>], iteration_bounds = array<i64: 10>, scalar_prefetch = 0 : i64, scratch_operands = 0 : i64, tpu.core_type = #tpu.core_type<tc>, window_params = [{transform_indices = @transform_0, window_bounds = array<i64: 1000, 256>}, {pipeline_mode = #tpu.pipeline_mode<synchronous>, transform_indices = @transform_1, window_bounds = array<i64: 256, 256>}, {transform_indices = @transform_2, window_bounds = array<i64: 2, 1000, 128>}, {transform_indices = @transform_3, window_bounds = array<i64: 2, 1000, 128>}]} {
    %get3A = arith.constant 0 : index
    %get3A_0 = arith.constant 0 : index
    %get3A_1 = vector.load %arg1[%get3A, %get3A_0] : memref<1000x256xf32, #tpu.memory_space<vmem>>, vector<1000x256xf32>
    %get3A_2 = arith.constant 0 : index
    %get3A_3 = arith.constant 0 : index
    %get3A_4 = vector.load %arg2[%get3A_2, %get3A_3] : memref<256x256xf32, #tpu.memory_space<vmem>>, vector<256x256xf32>
    %dot_general3A = arith.constant dense<0.000000e+00> : vector<1000x256xf32>
    %dot_general3A_5 = tpu.matmul %get3A_1, %get3A_4, %dot_general3A {dimension_numbers = #tpu.dot_dimension_numbers<[1], [0], [0], [1], [0, 0, 1, 1], [], []>, transpose_lhs_hint = false} : vector<1000x256xf32>, vector<256x256xf32>, vector<1000x256xf32> -> vector<1000x256xf32>
    %get3A_6 = arith.constant 0 : index
    %get3A_7 = arith.constant 0 : index
    %get3A_8 = arith.constant 0 : index
    %get3A_9 = vector.load %arg3[%get3A_6, %get3A_7, %get3A_8] : memref<2x1000x128xf32, #tpu.memory_space<vmem>>, vector<1x1000x1xf32>
    %get3A_10 = vector.shape_cast %get3A_9 : vector<1x1000x1xf32> to vector<1000xf32>
    %get3A_11 = arith.constant 1 : index
    %get3A_12 = arith.constant 0 : index
    %get3A_13 = arith.constant 0 : index
    %get3A_14 = vector.load %arg3[%get3A_11, %get3A_12, %get3A_13] : memref<2x1000x128xf32, #tpu.memory_space<vmem>>, vector<1x1000x1xf32>
    %get3A_15 = vector.shape_cast %get3A_14 : vector<1x1000x1xf32> to vector<1000xf32>
    %add3A = arith.addf %get3A_10, %get3A_15 : vector<1000xf32>
    %add3A_16 = arith.constant 1.000000e+00 : f32
    %add3A_17 = vector.broadcast %add3A_16 : f32 to vector<1000xf32>
    %add3A_18 = arith.addf %add3A, %add3A_17 : vector<1000xf32>
    %rsqrt3A = math.rsqrt %add3A_18 : vector<1000xf32>
    %broadcast_in_dim3A = vector.shape_cast %rsqrt3A : vector<1000xf32> to vector<1000x1xf32>
    %mul3A = vector.broadcast %broadcast_in_dim3A : vector<1000x1xf32> to vector<1000x256xf32>
    %mul3A_19 = arith.mulf %dot_general3A_5, %mul3A : vector<1000x256xf32>
    %slice3A = vector.extract_strided_slice %mul3A_19 {offsets = [0, 0], sizes = [1000, 128], strides = [1, 1]} : vector<1000x256xf32> to vector<1000x128xf32>
    %swap3A = arith.constant 0 : index
    %swap3A_20 = arith.constant 0 : index
    %swap3A_21 = arith.constant 0 : index
    %swap3A_22 = vector.load %arg4[%swap3A, %swap3A_20, %swap3A_21] : memref<2x1000x128xf32, #tpu.memory_space<vmem>>, vector<1x1000x128xf32>
    %swap3A_23 = vector.shape_cast %swap3A_22 : vector<1x1000x128xf32> to vector<1000x128xf32>
    %swap3A_24 = vector.shape_cast %slice3A : vector<1000x128xf32> to vector<1x1000x128xf32>
    tpu.vector_store %arg4[%swap3A, %swap3A_20, %swap3A_21], %swap3A_24 {strides = array<i32>} : memref<2x1000x128xf32, #tpu.memory_space<vmem>>, vector<1x1000x128xf32>,
    %slice3A_25 = vector.extract_strided_slice %mul3A_19 {offsets = [0, 128], sizes = [1000, 128], strides = [1, 1]} : vector<1000x256xf32> to vector<1000x128xf32>
    %swap3A_26 = arith.constant 1 : index
    %swap3A_27 = arith.constant 0 : index
    %swap3A_28 = arith.constant 0 : index
    %swap3A_29 = vector.load %arg4[%swap3A_26, %swap3A_27, %swap3A_28] : memref<2x1000x128xf32, #tpu.memory_space<vmem>>, vector<1x1000x128xf32>
    %swap3A_30 = vector.shape_cast %swap3A_29 : vector<1x1000x128xf32> to vector<1000x128xf32>
    %swap3A_31 = vector.shape_cast %slice3A_25 : vector<1000x128xf32> to vector<1x1000x128xf32>
    tpu.vector_store %arg4[%swap3A_26, %swap3A_27, %swap3A_28], %swap3A_31 {strides = array<i32>} : memref<2x1000x128xf32, #tpu.memory_space<vmem>>, vector<1x1000x128xf32>,
    return
  }
  func.func @transform_0(%arg0: i32) -> (i32, i32) {
    %c0_i32 = arith.constant 0 : i32
    %c0_i32_0 = arith.constant 0 : i32
    return %arg0, %c0_i32 : i32, i32
  }
  func.func @transform_1(%arg0: i32) -> (i32, i32) {
    %c0_i32 = arith.constant 0 : i32
    %c0_i32_0 = arith.constant 0 : i32
    %c0_i32_1 = arith.constant 0 : i32
    return %c0_i32, %c0_i32_0 : i32, i32
  }
  func.func @transform_2(%arg0: i32) -> (i32, i32, i32) {
    %c0_i32 = arith.constant 0 : i32
    %c0_i32_0 = arith.constant 0 : i32
    %c0_i32_1 = arith.constant 0 : i32
    return %c0_i32, %arg0, %c0_i32_0 : i32, i32, i32
  }
  func.func @transform_3(%arg0: i32) -> (i32, i32, i32) {
    %c0_i32 = arith.constant 0 : i32
    %c0_i32_0 = arith.constant 0 : i32
    %c0_i32_1 = arith.constant 0 : i32
    return %c0_i32, %arg0, %c0_i32_0 : i32, i32, i32
  }
}

module attributes {stable_mosaic.version = 14 : i64} {
  func.func @_final_body(%arg0: i32, %arg1: memref<2x1000x128xf32, #tpu.memory_space<vmem>>, %arg2: memref<2x1000x128xf32, #tpu.memory_space<vmem>>, %arg3: memref<2x1000x128xf32, #tpu.memory_space<vmem>>, %arg4: memref<1000x128xf32, #tpu.memory_space<vmem>>, %arg5: memref<1x256xf32, #tpu.memory_space<vmem>>, %arg6: memref<128x256xf32, #tpu.memory_space<vmem>>, %arg7: memref<1x256xf32, #tpu.memory_space<vmem>>, %arg8: memref<256x256xf32, #tpu.memory_space<vmem>>, %arg9: memref<1x256xf32, #tpu.memory_space<vmem>>, %arg10: memref<1x256xf32, #tpu.memory_space<vmem>>, %arg11: memref<1x256xf32, #tpu.memory_space<vmem>>, %arg12: memref<1000x256xf32, #tpu.memory_space<vmem>>) attributes {dimension_semantics = [#tpu.dimension_semantics<arbitrary>], iteration_bounds = array<i64: 10>, scalar_prefetch = 0 : i64, scratch_operands = 0 : i64, tpu.core_type = #tpu.core_type<tc>, window_params = [{transform_indices = @transform_0, window_bounds = array<i64: 2, 1000, 128>}, {transform_indices = @transform_1, window_bounds = array<i64: 2, 1000, 128>}, {transform_indices = @transform_2, window_bounds = array<i64: 2, 1000, 128>}, {transform_indices = @transform_3, window_bounds = array<i64: 1000, 128>}, {pipeline_mode = #tpu.pipeline_mode<synchronous>, transform_indices = @transform_4, window_bounds = array<i64: 1, 256>}, {pipeline_mode = #tpu.pipeline_mode<synchronous>, transform_indices = @transform_5, window_bounds = array<i64: 128, 256>}, {pipeline_mode = #tpu.pipeline_mode<synchronous>, transform_indices = @transform_6, window_bounds = array<i64: 1, 256>}, {pipeline_mode = #tpu.pipeline_mode<synchronous>, transform_indices = @transform_7, window_bounds = array<i64: 256, 256>}, {pipeline_mode = #tpu.pipeline_mode<synchronous>, transform_indices = @transform_8, window_bounds = array<i64: 1, 256>}, {pipeline_mode = #tpu.pipeline_mode<synchronous>, transform_indices = @transform_9, window_bounds = array<i64: 1, 256>}, {pipeline_mode = #tpu.pipeline_mode<synchronous>, transform_indices = @transform_10, window_bounds = array<i64: 1, 256>}, {transform_indices = @transform_11, window_bounds = array<i64: 1000, 256>}]} {
    %get3A = arith.constant 0 : index
    %get3A_0 = arith.constant 0 : index
    %get3A_1 = arith.constant 0 : index
    %get3A_2 = vector.load %arg3[%get3A, %get3A_0, %get3A_1] : memref<2x1000x128xf32, #tpu.memory_space<vmem>>, vector<1x1000x1xf32>
    %get3A_3 = vector.shape_cast %get3A_2 : vector<1x1000x1xf32> to vector<1000xf32>
    %get3A_4 = arith.constant 1 : index
    %get3A_5 = arith.constant 0 : index
    %get3A_6 = arith.constant 0 : index
    %get3A_7 = vector.load %arg3[%get3A_4, %get3A_5, %get3A_6] : memref<2x1000x128xf32, #tpu.memory_space<vmem>>, vector<1x1000x1xf32>
    %get3A_8 = vector.shape_cast %get3A_7 : vector<1x1000x1xf32> to vector<1000xf32>
    %add3A = arith.addf %get3A_3, %get3A_8 : vector<1000xf32>
    %add3A_9 = arith.constant 1.000000e+00 : f32
    %add3A_10 = vector.broadcast %add3A_9 : f32 to vector<1000xf32>
    %add3A_11 = arith.addf %add3A, %add3A_10 : vector<1000xf32>
    %rsqrt3A = math.rsqrt %add3A_11 : vector<1000xf32>
    %broadcast_in_dim3A = vector.shape_cast %rsqrt3A : vector<1000xf32> to vector<1000x1xf32>
    %get3A_12 = arith.constant 0 : index
    %get3A_13 = arith.constant 0 : index
    %get3A_14 = arith.constant 0 : index
    %get3A_15 = vector.load %arg1[%get3A_12, %get3A_13, %get3A_14] : memref<2x1000x128xf32, #tpu.memory_space<vmem>>, vector<1x1000x128xf32>
    %get3A_16 = vector.shape_cast %get3A_15 : vector<1x1000x128xf32> to vector<1000x128xf32>
    %get3A_17 = arith.constant 1 : index
    %get3A_18 = arith.constant 0 : index
    %get3A_19 = arith.constant 0 : index
    %get3A_20 = vector.load %arg1[%get3A_17, %get3A_18, %get3A_19] : memref<2x1000x128xf32, #tpu.memory_space<vmem>>, vector<1x1000x128xf32>
    %get3A_21 = vector.shape_cast %get3A_20 : vector<1x1000x128xf32> to vector<1000x128xf32>
    %concatenate3A = tpu.concatenate %get3A_16, %get3A_21 in 1 : vector<1000x128xf32>, vector<1000x128xf32> -> vector<1000x256xf32>
    %get3A_22 = arith.constant 0 : index
    %get3A_23 = arith.constant 0 : index
    %get3A_24 = arith.constant 0 : index
    %get3A_25 = vector.load %arg2[%get3A_22, %get3A_23, %get3A_24] : memref<2x1000x128xf32, #tpu.memory_space<vmem>>, vector<1x1000x128xf32>
    %get3A_26 = vector.shape_cast %get3A_25 : vector<1x1000x128xf32> to vector<1000x128xf32>
    %get3A_27 = arith.constant 1 : index
    %get3A_28 = arith.constant 0 : index
    %get3A_29 = arith.constant 0 : index
    %get3A_30 = vector.load %arg2[%get3A_27, %get3A_28, %get3A_29] : memref<2x1000x128xf32, #tpu.memory_space<vmem>>, vector<1x1000x128xf32>
    %get3A_31 = vector.shape_cast %get3A_30 : vector<1x1000x128xf32> to vector<1000x128xf32>
    %concatenate3A_32 = tpu.concatenate %get3A_26, %get3A_31 in 1 : vector<1000x128xf32>, vector<1000x128xf32> -> vector<1000x256xf32>
    %add3A_33 = arith.addf %concatenate3A, %concatenate3A_32 : vector<1000x256xf32>
    %mul3A = vector.broadcast %broadcast_in_dim3A : vector<1000x1xf32> to vector<1000x256xf32>
    %mul3A_34 = arith.mulf %mul3A, %add3A_33 : vector<1000x256xf32>
    %get3A_35 = arith.constant 0 : index
    %get3A_36 = arith.constant 0 : index
    %get3A_37 = vector.load %arg5[%get3A_35, %get3A_36] : memref<1x256xf32, #tpu.memory_space<vmem>>, vector<1x256xf32>
    %add3A_38 = vector.broadcast %get3A_37 : vector<1x256xf32> to vector<1000x256xf32>
    %add3A_39 = arith.addf %mul3A_34, %add3A_38 : vector<1000x256xf32>
    %logistic3A = arith.negf %add3A_39 : vector<1000x256xf32>
    %logistic3A_40 = math.exp %logistic3A : vector<1000x256xf32>
    %logistic3A_41 = arith.constant 1.000000e+00 : f32
    %logistic3A_42 = vector.broadcast %logistic3A_41 : f32 to vector<1000x256xf32>
    %logistic3A_43 = arith.addf %logistic3A_42, %logistic3A_40 : vector<1000x256xf32>
    %logistic3A_44 = arith.divf %logistic3A_42, %logistic3A_43 : vector<1000x256xf32>
    %mul3A_45 = arith.mulf %add3A_39, %logistic3A_44 : vector<1000x256xf32>
    %get3A_46 = arith.constant 0 : index
    %get3A_47 = arith.constant 0 : index
    %get3A_48 = vector.load %arg4[%get3A_46, %get3A_47] : memref<1000x128xf32, #tpu.memory_space<vmem>>, vector<1000x128xf32>
    %get3A_49 = arith.constant 0 : index
    %get3A_50 = arith.constant 0 : index
    %get3A_51 = vector.load %arg6[%get3A_49, %get3A_50] : memref<128x256xf32, #tpu.memory_space<vmem>>, vector<128x256xf32>
    %dot_general3A = arith.constant dense<0.000000e+00> : vector<1000x256xf32>
    %dot_general3A_52 = tpu.matmul %get3A_48, %get3A_51, %dot_general3A {dimension_numbers = #tpu.dot_dimension_numbers<[1], [0], [0], [1], [0, 0, 1, 1], [], []>, transpose_lhs_hint = false} : vector<1000x128xf32>, vector<128x256xf32>, vector<1000x256xf32> -> vector<1000x256xf32>
    %get3A_53 = arith.constant 0 : index
    %get3A_54 = arith.constant 0 : index
    %get3A_55 = vector.load %arg7[%get3A_53, %get3A_54] : memref<1x256xf32, #tpu.memory_space<vmem>>, vector<1x256xf32>
    %add3A_56 = vector.broadcast %get3A_55 : vector<1x256xf32> to vector<1000x256xf32>
    %add3A_57 = arith.addf %dot_general3A_52, %add3A_56 : vector<1000x256xf32>
    %logistic3A_58 = arith.negf %add3A_57 : vector<1000x256xf32>
    %logistic3A_59 = math.exp %logistic3A_58 : vector<1000x256xf32>
    %logistic3A_60 = arith.constant 1.000000e+00 : f32
    %logistic3A_61 = vector.broadcast %logistic3A_60 : f32 to vector<1000x256xf32>
    %logistic3A_62 = arith.addf %logistic3A_61, %logistic3A_59 : vector<1000x256xf32>
    %logistic3A_63 = arith.divf %logistic3A_61, %logistic3A_62 : vector<1000x256xf32>
    %mul3A_64 = arith.mulf %add3A_57, %logistic3A_63 : vector<1000x256xf32>
    %add3A_65 = arith.addf %mul3A_45, %mul3A_64 : vector<1000x256xf32>
    %get3A_66 = arith.constant 0 : index
    %get3A_67 = arith.constant 0 : index
    %get3A_68 = vector.load %arg8[%get3A_66, %get3A_67] : memref<256x256xf32, #tpu.memory_space<vmem>>, vector<256x256xf32>
    %dot_general3A_69 = arith.constant dense<0.000000e+00> : vector<1000x256xf32>
    %dot_general3A_70 = tpu.matmul %add3A_65, %get3A_68, %dot_general3A_69 {dimension_numbers = #tpu.dot_dimension_numbers<[1], [0], [0], [1], [0, 0, 1, 1], [], []>, transpose_lhs_hint = false} : vector<1000x256xf32>, vector<256x256xf32>, vector<1000x256xf32> -> vector<1000x256xf32>
    %get3A_71 = arith.constant 0 : index
    %get3A_72 = arith.constant 0 : index
    %get3A_73 = vector.load %arg9[%get3A_71, %get3A_72] : memref<1x256xf32, #tpu.memory_space<vmem>>, vector<1x256xf32>
    %add3A_74 = vector.broadcast %get3A_73 : vector<1x256xf32> to vector<1000x256xf32>
    %add3A_75 = arith.addf %dot_general3A_70, %add3A_74 : vector<1000x256xf32>
    %logistic3A_76 = arith.negf %add3A_75 : vector<1000x256xf32>
    %logistic3A_77 = math.exp %logistic3A_76 : vector<1000x256xf32>
    %logistic3A_78 = arith.constant 1.000000e+00 : f32
    %logistic3A_79 = vector.broadcast %logistic3A_78 : f32 to vector<1000x256xf32>
    %logistic3A_80 = arith.addf %logistic3A_79, %logistic3A_77 : vector<1000x256xf32>
    %logistic3A_81 = arith.divf %logistic3A_79, %logistic3A_80 : vector<1000x256xf32>
    %mul3A_82 = arith.mulf %add3A_75, %logistic3A_81 : vector<1000x256xf32>
    %reduce_sum3A = arith.constant dense<0.000000e+00> : vector<1000xf32>
    %reduce_sum3A_83 = vector.multi_reduction <add>, %mul3A_82, %reduce_sum3A [1] : vector<1000x256xf32> to vector<1000xf32>
    %broadcast_in_dim3A_84 = vector.shape_cast %reduce_sum3A_83 : vector<1000xf32> to vector<1000x1xf32>
    %div3A = arith.constant 2.560000e+02 : f32
    %div3A_85 = vector.broadcast %div3A : f32 to vector<1000x1xf32>
    %div3A_86 = arith.divf %broadcast_in_dim3A_84, %div3A_85 : vector<1000x1xf32>
    %sub3A = vector.broadcast %div3A_86 : vector<1000x1xf32> to vector<1000x256xf32>
    %sub3A_87 = arith.subf %mul3A_82, %sub3A : vector<1000x256xf32>
    %integer_pow3A = arith.mulf %sub3A_87, %sub3A_87 : vector<1000x256xf32>
    %reduce_sum3A_88 = arith.constant dense<0.000000e+00> : vector<1000xf32>
    %reduce_sum3A_89 = vector.multi_reduction <add>, %integer_pow3A, %reduce_sum3A_88 [1] : vector<1000x256xf32> to vector<1000xf32>
    %broadcast_in_dim3A_90 = vector.shape_cast %reduce_sum3A_89 : vector<1000xf32> to vector<1000x1xf32>
    %div3A_91 = arith.constant 2.560000e+02 : f32
    %div3A_92 = vector.broadcast %div3A_91 : f32 to vector<1000x1xf32>
    %div3A_93 = arith.divf %broadcast_in_dim3A_90, %div3A_92 : vector<1000x1xf32>
    %sub3A_94 = vector.broadcast %div3A_86 : vector<1000x1xf32> to vector<1000x256xf32>
    %sub3A_95 = arith.subf %mul3A_82, %sub3A_94 : vector<1000x256xf32>
    %add3A_96 = arith.constant 9.99999974E-6 : f32
    %add3A_97 = vector.broadcast %add3A_96 : f32 to vector<1000x1xf32>
    %add3A_98 = arith.addf %div3A_93, %add3A_97 : vector<1000x1xf32>
    %rsqrt3A_99 = math.rsqrt %add3A_98 : vector<1000x1xf32>
    %mul3A_100 = vector.broadcast %rsqrt3A_99 : vector<1000x1xf32> to vector<1000x256xf32>
    %mul3A_101 = arith.mulf %sub3A_95, %mul3A_100 : vector<1000x256xf32>
    %get3A_102 = arith.constant 0 : index
    %get3A_103 = arith.constant 0 : index
    %get3A_104 = vector.load %arg10[%get3A_102, %get3A_103] : memref<1x256xf32, #tpu.memory_space<vmem>>, vector<1x256xf32>
    %mul3A_105 = vector.broadcast %get3A_104 : vector<1x256xf32> to vector<1000x256xf32>
    %mul3A_106 = arith.mulf %mul3A_101, %mul3A_105 : vector<1000x256xf32>
    %get3A_107 = arith.constant 0 : index
    %get3A_108 = arith.constant 0 : index
    %get3A_109 = vector.load %arg11[%get3A_107, %get3A_108] : memref<1x256xf32, #tpu.memory_space<vmem>>, vector<1x256xf32>
    %add3A_110 = vector.broadcast %get3A_109 : vector<1x256xf32> to vector<1000x256xf32>
    %add3A_111 = arith.addf %mul3A_106, %add3A_110 : vector<1000x256xf32>
    %swap3A = arith.constant 0 : index
    %swap3A_112 = arith.constant 0 : index
    %swap3A_113 = vector.load %arg12[%swap3A, %swap3A_112] : memref<1000x256xf32, #tpu.memory_space<vmem>>, vector<1000x256xf32>
    tpu.vector_store %arg12[%swap3A, %swap3A_112], %add3A_111 {strides = array<i32>} : memref<1000x256xf32, #tpu.memory_space<vmem>>, vector<1000x256xf32>,
    return
  }
  func.func @transform_0(%arg0: i32) -> (i32, i32, i32) {
    %c0_i32 = arith.constant 0 : i32
    %c0_i32_0 = arith.constant 0 : i32
    %c0_i32_1 = arith.constant 0 : i32
    return %c0_i32, %arg0, %c0_i32_0 : i32, i32, i32
  }
  func.func @transform_1(%arg0: i32) -> (i32, i32, i32) {
    %c0_i32 = arith.constant 0 : i32
    %c0_i32_0 = arith.constant 0 : i32
    %c0_i32_1 = arith.constant 0 : i32
    return %c0_i32, %arg0, %c0_i32_0 : i32, i32, i32
  }
  func.func @transform_2(%arg0: i32) -> (i32, i32, i32) {
    %c0_i32 = arith.constant 0 : i32
    %c0_i32_0 = arith.constant 0 : i32
    %c0_i32_1 = arith.constant 0 : i32
    return %c0_i32, %arg0, %c0_i32_0 : i32, i32, i32
  }
  func.func @transform_3(%arg0: i32) -> (i32, i32) {
    %c0_i32 = arith.constant 0 : i32
    %c0_i32_0 = arith.constant 0 : i32
    return %arg0, %c0_i32 : i32, i32
  }
  func.func @transform_4(%arg0: i32) -> (i32, i32) {
    %c0_i32 = arith.constant 0 : i32
    %c0_i32_0 = arith.constant 0 : i32
    %c0_i32_1 = arith.constant 0 : i32
    return %c0_i32, %c0_i32_0 : i32, i32
  }
  func.func @transform_5(%arg0: i32) -> (i32, i32) {
    %c0_i32 = arith.constant 0 : i32
    %c0_i32_0 = arith.constant 0 : i32
    %c0_i32_1 = arith.constant 0 : i32
    return %c0_i32, %c0_i32_0 : i32, i32
  }
  func.func @transform_6(%arg0: i32) -> (i32, i32) {
    %c0_i32 = arith.constant 0 : i32
    %c0_i32_0 = arith.constant 0 : i32
    %c0_i32_1 = arith.constant 0 : i32
    return %c0_i32, %c0_i32_0 : i32, i32
  }
  func.func @transform_7(%arg0: i32) -> (i32, i32) {
    %c0_i32 = arith.constant 0 : i32
    %c0_i32_0 = arith.constant 0 : i32
    %c0_i32_1 = arith.constant 0 : i32
    return %c0_i32, %c0_i32_0 : i32, i32
  }
  func.func @transform_8(%arg0: i32) -> (i32, i32) {
    %c0_i32 = arith.constant 0 : i32
    %c0_i32_0 = arith.constant 0 : i32
    %c0_i32_1 = arith.constant 0 : i32
    return %c0_i32, %c0_i32_0 : i32, i32
  }
  func.func @transform_9(%arg0: i32) -> (i32, i32) {
    %c0_i32 = arith.constant 0 : i32
    %c0_i32_0 = arith.constant 0 : i32
    %c0_i32_1 = arith.constant 0 : i32
    return %c0_i32, %c0_i32_0 : i32, i32
  }
  func.func @transform_10(%arg0: i32) -> (i32, i32) {
    %c0_i32 = arith.constant 0 : i32
    %c0_i32_0 = arith.constant 0 : i32
    %c0_i32_1 = arith.constant 0 : i32
    return %c0_i32, %c0_i32_0 : i32, i32
  }
  func.func @transform_11(%arg0: i32) -> (i32, i32) {
    %c0_i32 = arith.constant 0 : i32
    %c0_i32_0 = arith.constant 0 : i32
    return %arg0, %c0_i32 : i32, i32
  }
}

</mosaic_0001>

<sc_bundles>
// kernel: kernel.6.cloned.1.call-start
scs
__scs_entry_jumppad:
0x0: {  	(pc) =	sbr.rel $0x88, $3  }
0x1: {  	(tag) =	ssettag $0x0;
	lr =	simm.s32 $0x1  }
0x2: {  	[smem:$0x3F96] =	sst lr;
	_ =	strace $0xD0000000  }
0x3: {  	_ = 	snop  }
0x4: {  	_ = 	snop  }
0x5: {  	_ = 	snop  }
0x6: {  	_ = 	snop  }
0x7: {  	_ = 	snop  }
__scs_overlays_trampoline_lowered:
0x8: {  	[smem:$0x3FA5] =	sst s0  }
0x9: {  	[smem:$0x3FA6] =	sst s1  }
0xa: {  	[smem:$0x3FA7] =	sst s2  }
0xb: {  	[smem:$0x3FA8] =	sst s3  }
0xc: {  	[smem:$0x3FA9] =	sst s4  }
0xd: {  	[smem:$0x3FAA] =	sst s5  }
0xe: {  	[smem:$0x3FAB] =	sst s6  }
0xf: {  	[smem:$0x3FAC] =	sst s7  }
0x10: {  	[smem:$0x3FAD] =	sst s8  }
0x11: {  	[smem:$0x3FAE] =	sst s9;
	s0 =	simm.s32 @!p0 $0x0  }
0x12: {  	s1 =	sld [smem:$0x3F94];
	s0 =	simm.s32 @p0 $0x1  }
0x13: {  	[smem:$0x3FAF] =	sst s0;
	s0 =	simm.s32 @!p1 $0x0  }
0x14: {  	s2 =	sld [smem:$0x3F93];
	s0 =	simm.s32 @p1 $0x1  }
0x15: {  	[smem:$0x3FB0] =	sst s0;
	s0 =	simm.s32 @!p2 $0x0  }
0x16: {  	s3 =	sld [smem:$0x3FDB];
	s0 =	simm.s32 @p2 $0x1  }
0x17: {  	s4 =	simm.s32 $0x1BF5;
	[smem:$0x3FB2] =	sst s0  }
0x18: {  	s0 =	sld [smem:$0x3F95];
	_ =	swait.ge [sflag:s4], $0x0  }
0x19: {  	s7 =	sld [smem:$0x3F96]  }
0x1a: {  	s8 =	sadd.s32 $0xFFFFE003, lr  }
0x1b: {  	s9 =	sadd.s32 $0xFFFFFEF7, lr;
	s5 =	simm.s32 $0xFFFFFFFF;
	p2 =	slt.u32 s8, $0xFFFFF086  }
0x1c: {  	p1 =	slt.u32 s9, $0xF7A;
	s5 =	simm.s32 @!p2 $0x0  }
0x1d: {  	s5 =	simm.s32 @p1 $0x1;
	p0 =	seq.s32 s7, s2  }
0x1e: {  	s7 =	smul.u32 @!p0 $0xF7A, s2;
	p2 =	seq.s32 @!p0 s5, $0x0  }
0x1f: {  	s9 =	smul.u32 $0xF7A, s1;
	s8 =	simm.s32 @!p0 $0x1BF5;
	p2 =	por !p2, p0  }
0x20: {  	[sflag:s8] =	ssyncset.s32 @!p0 $0xFFFFF086;
	s6 =	sadd.s32 @!p0 s3, s7;
	s7 =	simm.s32 @!p0 $0x108  }
0x21: {  	s3 =	sadd.s32 s3, s9;
	s6 =	sadd.s32 @!p0 $0x88, s6;
	s7 =	simm.s32 @p2 $0x1082  }
0x22: {  	[simem:s7], [sflag:s8] =	dma.local @!p0 [hbm:s6], $0xF7A  }
0x23: {  	s9 =	sor.u32 $0xD0000000, s2;
	s6 =	simm.s32 $0x108;
	_ =	swait.ge @!p0 [sflag:s8], $0x0  }
0x24: {  	s3 =	sadd.s32 $0x88, s3;
	s6 =	simm.s32 @!p1 $0x1082;
	[sflag:s4] =	ssyncset.s32 $0xFFFFF086  }
0x25: {  	[simem:s6], [sflag:s4] =	dma.local [hbm:s3], $0xF7A  }
0x26: {  	[smem:$0x3F96] =	sst s1;
	(tag) =	ssettag s2;
	_ =	strace s9  }
0x27: {  	s1 =	sld [smem:$0x3FA6]  }
0x28: {  	s2 =	sld [smem:$0x3FA7]  }
0x29: {  	s4 =	sld [smem:$0x3FA9]  }
0x2a: {  	p0 =	seq.s32 s5, $0x0;
	s5 =	sld [smem:$0x3FAA]  }
0x2b: {  	s6 =	sld [smem:$0x3FAB]  }
0x2c: {  	s7 =	sld [smem:$0x3FAC]  }
0x2d: {  	s3 =	simm.s32 $0x108;
	s8 =	sld [smem:$0x3FAD]  }
0x2e: {  	s3 =	simm.s32 @!p0 $0x1082;
	s9 =	sld [smem:$0x3FAE]  }
0x2f: {  	lr =	sadd.s32 s0, s3;
	s0 =	sld [smem:$0x3FA5]  }
0x30: {  	s3 =	sld [smem:$0x3FA8]  }
0x31: {  	[smem:$0x3FB1] =	sst s10  }
0x32: {  	s10 =	sld [smem:$0x3FAF];
	_ =	sdelay $0x3  }
0x33: {  	p0 =	seq.s32 s10, $0x1;
	s10 =	sld [smem:$0x3FB1];
	_ =	sdelay $0x3  }
0x34: {  	[smem:$0x3FB1] =	sst s10  }
0x35: {  	s10 =	sld [smem:$0x3FB0];
	_ =	sdelay $0x3  }
0x36: {  	p1 =	seq.s32 s10, $0x1;
	s10 =	sld [smem:$0x3FB1];
	_ =	sdelay $0x3  }
0x37: {  	[smem:$0x3FB1] =	sst s10  }
0x38: {  	s10 =	sld [smem:$0x3FB2]  }
0x39: {  	_ = 	snop;
	(pc) =	sbr.ind lr, $3  }
0x3a: {  	_ = 	snop  }
0x3b: {  	_ = 	snop  }
0x3c: {  	p2 =	seq.s32 s10, $0x1;
	s10 =	sld [smem:$0x3FB1]  }
0x3d: {  	_ =	shalt  }
0x3e: {  	_ =	shalt  }
0x3f: {  	_ =	shalt  }
0x40: {  	_ =	shalt  }
0x41: {  	_ =	shalt  }
0x42: {  	_ =	shalt  }
0x43: {  	_ =	shalt  }
0x44: {  	_ =	shalt  }
0x45: {  	_ =	shalt  }
0x46: {  	_ =	shalt  }
0x47: {  	_ =	shalt  }
0x48: {  	_ =	shalt  }
0x49: {  	_ =	shalt  }
0x4a: {  	_ =	shalt  }
0x4b: {  	_ =	shalt  }
0x4c: {  	_ =	shalt  }
0x4d: {  	_ =	shalt  }
0x4e: {  	_ =	shalt  }
0x4f: {  	_ =	shalt  }
0x50: {  	_ =	shalt  }
0x51: {  	_ =	shalt  }
0x52: {  	_ =	shalt  }
0x53: {  	_ =	shalt  }
0x54: {  	_ =	shalt  }
0x55: {  	_ =	shalt  }
0x56: {  	_ =	shalt  }
0x57: {  	_ =	shalt  }
0x58: {  	_ =	shalt  }
0x59: {  	_ =	shalt  }
0x5a: {  	_ =	shalt  }
0x5b: {  	_ =	shalt  }
0x5c: {  	_ =	shalt  }
0x5d: {  	_ =	shalt  }
0x5e: {  	_ =	shalt  }
0x5f: {  	_ =	shalt  }
0x60: {  	_ =	shalt  }
0x61: {  	_ =	shalt  }
0x62: {  	_ =	shalt  }
0x63: {  	_ =	shalt  }
0x64: {  	_ =	shalt  }
0x65: {  	_ =	shalt  }
0x66: {  	_ =	shalt  }
0x67: {  	_ =	shalt  }
0x68: {  	_ =	shalt  }
0x69: {  	_ =	shalt  }
0x6a: {  	_ =	shalt  }
0x6b: {  	_ =	shalt  }
0x6c: {  	_ =	shalt  }
0x6d: {  	_ =	shalt  }
0x6e: {  	_ =	shalt  }
0x6f: {  	_ =	shalt  }
0x70: {  	_ =	shalt  }
0x71: {  	_ =	shalt  }
0x72: {  	_ =	shalt  }
0x73: {  	_ =	shalt  }
0x74: {  	_ =	shalt  }
0x75: {  	_ =	shalt  }
0x76: {  	_ =	shalt  }
0x77: {  	_ =	shalt  }
0x78: {  	_ =	shalt  }
0x79: {  	_ =	shalt  }
0x7a: {  	_ =	shalt  }
0x7b: {  	_ =	shalt  }
0x7c: {  	_ =	shalt  }
0x7d: {  	_ =	shalt  }
0x7e: {  	_ =	shalt  }
0x7f: {  	_ =	shalt  }
0x80: {  	_ =	shalt  }
0x81: {  	_ =	shalt  }
0x82: {  	_ =	shalt  }
0x83: {  	_ =	shalt  }
0x84: {  	_ =	shalt  }
0x85: {  	_ =	shalt  }
0x86: {  	_ =	shalt  }
0x87: {  	_ =	shalt  }
.Lfunc_end0:
.L_simem_size_0:
called_computation_lowered:
.L_overlay_start_0:
0x88: {  	s2 =	sld [smem:$0x3FD9]  }
0x89: {  	s3 =	sld [smem:$0x3FFE];
	_ =	sdelay $0x1  }
0x8a: {  	s1 =	srdreg.scid  }
0x8b: {  	s0 =	sand.u32 $0x1, s1  }
0x8c: {  	s17 =	sshll.u32 s0, $0xA;
	s2 =	sadd.s32 s3, s2  }
0x8d: {  	s2 =	sadd.s32 s2, s17  }
0x8e: {  	[smem:$0x3FBD] =	sst s2  }
0x8f: {  	_ = 	snop  }
0x90: {  	s2 =	sld [smem:$0x3FD0];
	(tm) =	ssettm $0x1  }
0x91: {  	s18 =	sld [smem:$0x3FFB];
	_ =	sdelay $0x3  }
0x92: {  	_ =	strace s18  }
0x93: {  	s3 =	sld [smem:$0x3FFC];
	_ =	sdelay $0x3  }
0x94: {  	_ =	strace s3  }
0x95: {  	s3 =	sld [smem:$0x3FFD];
	_ =	sdelay $0x3  }
0x96: {  	_ =	strace s3  }
0x97: {  	_ =	strace $0x8FFFFFFF  }
0x98: {  	s19 =	sld [smem:$0x3FDB];
	_ =	sdelay $0x1  }
0x99: {  	s4 =	simm.s32 $_scs_section_size  }
0x9a: {  	s5 =	simm.s32 $_size__tile_overlayer_lowered;
	s6 =	simm.s32 $_tile_overlayer_lowered  }
0x9b: {  	s22 =	simm.s32 $0x1BFF;
	s21 =	sshll.u32 s6, $0x1;
	s3 =	sadd.s32 s4, s19  }
0x9c: {  	s7 =	simm.s32 $0x0;
	s20 =	sshll.u32 s5, $0x1;
	s5 =	sadd.s32 s21, s3  }
0x9d: {  	[timem:s7], [sflag:s22] =	dma.local [hbm:s5], s20  }
0x9e: {  	_ =	swait.ge [sflag:s22], s20  }
0x9f: {  	s4 =	ssub.s32 $0x0, s20;
	[sflag:s22] =	ssyncset.done $0x0  }
0xa0: {  	[sflag:s22] =	ssyncadd.s32 s4;
	_ =	sdelay $0x1  }
0xa1: {  	s23 =	simm.s32 $0x1B8B  }
0xa2: {  	_ =	swait.ge [sflag:s23], $0x1  }
0xa3: {  	[sflag:s23] =	ssyncset.done $0x0  }
0xa4: {  	s25 =	simm.s32 $0x1B8E;
	s24 =	sld [smem:$0x3FFE];
	[sflag:s23] =	ssyncadd.s32 $0xFFFFFFFF  }
0xa5: {  	s26 =	simm.s32 $execute0_lowered;
	[smem:$0x3FD2] =	sst s25  }
0xa6: {  	s5 =	sshll.u32 s26, $0x1;
	_ =	strace $0x80000046;
	[dreg:$0x1] =	wrdreg $0xFFFFFFFF  }
0xa7: {  	s28 =	simm.s32 $_size_execute0_lowered;
	s3 =	sadd.s32 s3, s5;
	[dreg:$0x0] =	wrdreg $0x0  }
0xa8: {  	s5 =	sshll.u32 s28, $0x1;
	[dreg:$0x2] =	wrdreg s3  }
0xa9: {  	[dreg:$0x3] =	wrdreg s5  }
0xaa: {  	[dreg:$0x4] =	wrdreg $0xC0  }
0xab: {  	_ =	task [dreg:s7], $0x5FFFF  }
0xac: {  	[dreg:$0x1] =	wrdreg $0xFFFFFFFF  }
0xad: {  	[dreg:$0x0] =	wrdreg $0x60  }
0xae: {  	[dreg:$0x2] =	wrdreg s2  }
0xaf: {  	[dreg:$0x3] =	wrdreg s24  }
0xb0: {  	[dreg:$0x4] =	wrdreg $0x94000  }
0xb1: {  	[dreg:$0x5] =	wrdreg $0x9  }
0xb2: {  	_ =	task.clear_ibuf [dreg:s7], $0x6FFFF;
	_ =	strace $0x90000046  }
0xb3: {  	s29 =	simm.s32 $0x9;
	_ =	strace $0x80000048  }
0xb4: {  	_ =	swait.ge [sflag:s29], $0x1  }
0xb5: {  	[sflag:s29] =	ssyncadd.s32 $0xFFFFFFFF  }
0xb6: {  	_ =	strace $0x90000048  }
0xb7: {  	_ =	sfence  }
0xb8: {  	s30 =	sld [smem:$0x0];
	_ =	sdelay $0x2  }
0xb9: {  	s31 =	sshll.u32 s1, $0xD;
	s1 =	sshrl.u32 s1, $0x2  }
0xba: {  	s3 =	sand.u32 $0x4000, s31;
	s1 =	sadd.s32 s1, s30  }
0xbb: {  	s0 =	sor.u32 s3, s0;
	s1 =	sshll.u32 s1, $0x11  }
0xbc: {  	s0 =	sor.u32 s1, s0  }
0xbd: {  	s0 =	sadd.s32 $0x8F2B, s0  }
0xbe: {  	[sflag:s0] =	ssyncadd.remote.s32 $0x1  }
0xbf: {  	_ =	sfence.sel $0xFFFF  }
0xc0: {  	[dreg:$0x0] =	wrdreg $0xFFFFFFFF;
	(pc) =	sbr.abs _section_cstart, $3  }
0xc1: {  	[dreg:$0x1] =	wrdreg $0xFFFFFFFF  }
0xc2: {  	_ =	task.clear_ibuf [dreg:s7], $0x2FFFF;
	_ =	strace $0x9FFFFFFF  }
0xc3: {  	(tm) =	ssettm $0x7FFFFFFF  }
tec
execute0_lowered:
.L_overlay_start_1:
0x0: {  	(tag) =	ssettag $0x1  }
0x1: {  	s7 =	rddreg [dreg:$0x0]  }
0x2: {  	s6 =	rddreg [dreg:$0x1]  }
0x3: {  	s1 =	rddreg [dreg:$0x2]  }
0x4: {  	s2 =	srdreg.scid;
	s0 =	rddreg [dreg:$0x3]  }
0x5: {  	s3 =	simm.s32 $0x0;
	s15 =	simm.s32 $0x5400;
	s16 =	simm.s32 $0x1400  }
0x6: {  	s17 =	simm.s32 $0x80;
	s18 =	simm.s32 $0x100;
	s19 =	simm.s32 $0x180  }
0x7: {  	s20 =	simm.s32 $0x1;
	s8 =	sand.u32 $0x1, s2;
	s2 =	stileid.u32  }
0x8: {  	s23 =	simm.s32 $0x0;
	[smem:$0x7FF] =	sst s3;
	s9 =	smul.u32 $0x13C000, s8  }
0x9: {  	s4 =	sadd.s32 $0x3C00, s6;
	s5 =	sadd.s32 $0x3400, s6;
	s10 =	smul.u32 $0x13C00, s2  }
0xa: {  	_ =	strace $0x80000047;
	s31 =	sshll.u32 s8, $0x4;
	s8 =	ssub.s32 $0x2, s8  }
0xb: {  	s11 =	smul.u32 $0x4F000, s2;
	s21 =	sshll.u32 s2, $0x6;
	s12 =	sshrl.u32 s8, $0x1  }
0xc: {  	s21 =	sor.u32 $0x1C02, s21;
	s9 =	sadd.s32 s10, s9;
	s10 =	sor.u32 s2, s31  }
0xd: {  	s11 =	sshrl.u32 s11, $0x2;
	s9 =	sshrl.u32 s9, $0x3;
	s10 =	smul.u32 $0x280, s10  }
0xe: {  	s14 =	ssub.s32 s8, s12;
	s13 =	sadd.s32 s9, s6;
	s6 =	sadd.s32 s11, s1  }
0xf: {  	s7 =	sadd.s32 s7, s10;
	s8 =	sadd.s32 $0x4000, s6;
	s9 =	sadd.s32 $0x8000, s6  }
0x10: {  	s10 =	sadd.s32 $0xC000, s6;
	s11 =	sadd.s32 $0x10000, s6;
	s12 =	sadd.s32 $0x4400, s13  }
0x11: {  	s13 =	smax.u32 s14, $0x1;
	s14 =	simm.s32 $0x2;
	s22 =	sshrl.u32 s6, $0x3  }
.LBB2_1:
0x12: {  	[tilespmem:s3], [sflag:$0x2] =	stream.linear.gather [hbm4b:s7+s3], $0x1400, $0x38;
	[tilespmem:$0x1D000] =	vst v63  }
0x13: {  	_ =	swait.ge [sflag:s14], $0x1400  }
0x14: {  	[sflag:s14] =	ssyncset.done $0x0  }
0x15: {  	[sflag:s14] =	ssyncadd.s32 $0xFFFFEC00  }
0x16: {  	[tilespmem:s15], [sflag:$0x2] =	stream.linear.gather [hbm4b:s5+s3], $0x4000, $0x38;
	[tilespmem:$0x1D000] =	vst v63  }
0x17: {  	_ =	swait.ge [sflag:s14], $0x4000  }
0x18: {  	[sflag:s14] =	ssyncset.done $0x0  }
0x19: {  	[sflag:s14] =	ssyncadd.s32 $0xFFFFC000  }
0x1a: {  	[tilespmem:s16], [sflag:$0x2] =	stream.linear.gather [hbm4b:s4+s3], $0x4000, $0x38;
	[tilespmem:$0x1D000] =	vst v63  }
0x1b: {  	_ =	swait.ge [sflag:s14], $0x4000  }
0x1c: {  	[sflag:s14] =	ssyncset.done $0x0  }
0x1d: {  	[sflag:s14] =	ssyncadd.s32 $0xFFFFC000  }
0x1e: {  	[spmem:s6] =	stream.linear.scatter [tilespmem:s15], [sflag:$0x2], $0x4000, $0x38;
	[tilespmem:$0x1D000] =	vst v63  }
0x1f: {  	_ =	swait.ge [sflag:s14], $0x4000  }
0x20: {  	[sflag:s14] =	ssyncset.done $0x0  }
0x21: {  	[sflag:s14] =	ssyncadd.s32 $0xFFFFC000  }
0x22: {  	[spmem:s8] =	stream.linear.scatter [tilespmem:s15], [sflag:$0x2], $0x4000, $0x38;
	[tilespmem:$0x1D000] =	vst v63  }
0x23: {  	_ =	swait.ge [sflag:s14], $0x4000  }
0x24: {  	[sflag:s14] =	ssyncset.done $0x0  }
0x25: {  	[sflag:s14] =	ssyncadd.s32 $0xFFFFC000  }
0x26: {  	[spmem:s9] =	stream.linear.scatter [tilespmem:s15], [sflag:$0x2], $0x4000, $0x38;
	[tilespmem:$0x1D000] =	vst v63  }
0x27: {  	_ =	swait.ge [sflag:s14], $0x4000  }
0x28: {  	[sflag:s14] =	ssyncset.done $0x0  }
0x29: {  	[sflag:s14] =	ssyncadd.s32 $0xFFFFC000  }
0x2a: {  	[spmem:s10] =	stream.linear.scatter [tilespmem:s15], [sflag:$0x2], $0x4000, $0x38;
	[tilespmem:$0x1D000] =	vst v63  }
0x2b: {  	_ =	swait.ge [sflag:s14], $0x4000  }
0x2c: {  	[sflag:s14] =	ssyncset.done $0x0  }
0x2d: {  	[sflag:s14] =	ssyncadd.s32 $0xFFFFC000  }
0x2e: {  	[spmem:s11] =	stream.linear.scatter [tilespmem:s15], [sflag:$0x2], $0x3C00, $0x38;
	[tilespmem:$0x1D000] =	vst v63  }
0x2f: {  	_ =	swait.ge [sflag:s14], $0x3C00  }
0x30: {  	[sflag:s14] =	ssyncset.done $0x0  }
0x31: {  	[sflag:s14] =	ssyncadd.s32 $0xFFFFC400  }
0x32: {  	[bflag:$0x0] =	sbarrier.arrive $0xFFFF  }
0x33: {  	[spmem:s1] =	stream.indirect.scatter.add.f32 [tilespmem:s16], [sflag:$0x1], $0x80, s3, s17, $0xb8;
	[tilespmem:$0x1D000] =	vst v63  }
0x34: {  	_ = 	snop  }
0x35: {  	[spmem:s1] =	stream.indirect.scatter.add.f32 [tilespmem:s16], [sflag:$0x1], $0x80, s17, s17, $0xb8;
	[tilespmem:$0x1D000] =	vst v63  }
0x36: {  	_ = 	snop  }
0x37: {  	[spmem:s1] =	stream.indirect.scatter.add.f32 [tilespmem:s16], [sflag:$0x1], $0x80, s18, s17, $0xb8;
	[tilespmem:$0x1D000] =	vst v63  }
0x38: {  	_ = 	snop  }
0x39: {  	[spmem:s1] =	stream.indirect.scatter.add.f32 [tilespmem:s16], [sflag:$0x1], $0x80, s19, s17, $0xb8;
	[tilespmem:$0x1D000] =	vst v63  }
0x3a: {  	_ =	swait.ge [sflag:s20], $0x4000  }
0x3b: {  	[sflag:s20] =	ssyncset.done $0x0  }
0x3c: {  	s24 =	simm.s32 $0xA00;
	s25 =	simm.s32 $0x200;
	[sflag:s20] =	ssyncadd.s32 $0xFFFFC000  }
.LBB2_2:
0x3d: {  	[spmem:s1] =	stream.indirect.scatter.add.f32 [tilespmem:s16], [sflag:$0x1], $0x80, s25, s17, $0xb8;
	[tilespmem:$0x1D000] =	vst v63  }
0x3e: {  	s25 =	smov.u32 s24;
	p0 =	sne.s32 s24, $0x4E00  }
.Ltmp0:
0x3f: {  	s24 =	sadd.s32 $0x200, s24;
	(pc) =	sbr.rel @p0 .LBB2_2-.Ltmp0, $4  }
0x40: {  	_ = 	snop  }
0x41: {  	_ =	swait.ge [sflag:s20], $0x4000  }
0x42: {  	[sflag:s20] =	ssyncset.done $0x0  }
0x43: {  	s25 =	sshra.s32 s25, $0x2;
	[sflag:s20] =	ssyncadd.s32 $0xFFFFC000  }
0x44: {  	[spmem:s1] =	stream.indirect.scatter.add.f32 [tilespmem:s16], [sflag:$0x1], $0x80, s25, s17, $0xb8;
	[tilespmem:$0x1D000] =	vst v63  }
0x45: {  	_ =	swait.ge [sflag:s20], $0x4000  }
0x46: {  	[sflag:s20] =	ssyncset.done $0x0  }
0x47: {  	[sflag:s20] =	ssyncadd.s32 $0xFFFFC000  }
0x48: {  	_ =	swait.ge [sflag:s20], $0x4000  }
0x49: {  	[sflag:s20] =	ssyncset.done $0x0  }
0x4a: {  	[sflag:s20] =	ssyncadd.s32 $0xFFFFC000  }
0x4b: {  	_ =	swait.ge [sflag:s20], $0x4000  }
0x4c: {  	[sflag:s20] =	ssyncset.done $0x0  }
0x4d: {  	[sflag:s20] =	ssyncadd.s32 $0xFFFFC000  }
0x4e: {  	_ =	swait.ge [sflag:s20], $0x4000  }
0x4f: {  	s23 =	sadd.s32 $0x1, s23;
	[sflag:s20] =	ssyncset.done $0x0  }
0x50: {  	p0 =	sne.s32 s23, s13;
	[sflag:s20] =	ssyncadd.s32 $0xFFFFC000  }
.Ltmp1:
0x51: {  	[bflag:$0x0] =	sbarrier.arrive $0xFFFF;
	(pc) =	sbr.rel @p0 .LBB2_1-.Ltmp1, $4  }
0x52: {  	[hbm:s12], [sflag:s21] =	dma.local [spmem:s22], $0x2780  }
0x53: {  	_ =	swait.ge [sflag:s14], $0x2780  }
0x54: {  	[sflag:s14] =	ssyncset.done $0x0  }
0x55: {  	[sflag:s14] =	ssyncadd.s32 $0xFFFFD880  }
0x56: {  	_ =	sfence.sel $0x180000  }
0x57: {  	[bflag:$0x0] =	sbarrier.arrive $0xFFFF  }
0x58: {  	p0 =	sne.s32 s2, $0x0;
	_ =	strace $0x90000047  }
0x59: {  	s0 =	sadd.s32 @!p0 $0x100000, s0;
	[bflag:$0x2] =	sbarrier.arrive $0xFFFF  }
0x5a: {  	[sflag:s0] =	ssyncadd.tile.s32 @!p0 $0x1;
	_ =	shalt  }
.Lfunc_end2:
_tile_overlayer_lowered:
.L_overlay_start_2:
0x5b: {  	(tag) =	ssettag $0x2  }
0x5c: {  	s0 =	rddreg [dreg:$0x0];
	s2 =	stileid.u32  }
0x5d: {  	s1 =	rddreg [dreg:$0x1];
	p0 =	sne.s32 s2, $0x0  }
0x5e: {  	s3 =	rddreg [dreg:$0x2];
	[bflag:$0x3] =	sbarrier.arrive $0xFFFF;
	s2 =	simm.s32 @!p0 $0x1C02  }
0x5f: {  	[timem:s3], [sflag:s2] =	dma.local @!p0 [hbm:s0], s1  }
0x60: {  	s0 =	simm.s32 @!p0 $0x2  }
0x61: {  	_ =	swait.ge @!p0 [sflag:s0], s1  }
0x62: {  	s1 =	ssub.s32 @!p0 $0x0, s1;
	[sflag:s0] =	ssyncset.done @!p0 $0x0  }
0x63: {  	[sflag:s0] =	ssyncadd.s32 @!p0 s1  }
0x64: {  	[bflag:$0x3] =	sbarrier.arrive $0xFFFF  }
0x65: {  	_ =	shalt  }

// kernel: kernel.9.cloned.1.call-start
scs
__scs_entry_jumppad:
0x0: {  	(pc) =	sbr.rel $0x88, $3  }
0x1: {  	(tag) =	ssettag $0x0;
	lr =	simm.s32 $0x1  }
0x2: {  	[smem:$0x3F96] =	sst lr;
	_ =	strace $0xD0000000  }
0x3: {  	_ = 	snop  }
0x4: {  	_ = 	snop  }
0x5: {  	_ = 	snop  }
0x6: {  	_ = 	snop  }
0x7: {  	_ = 	snop  }
__scs_overlays_trampoline_lowered:
0x8: {  	[smem:$0x3FA5] =	sst s0  }
0x9: {  	[smem:$0x3FA6] =	sst s1  }
0xa: {  	[smem:$0x3FA7] =	sst s2  }
0xb: {  	[smem:$0x3FA8] =	sst s3  }
0xc: {  	[smem:$0x3FA9] =	sst s4  }
0xd: {  	[smem:$0x3FAA] =	sst s5  }
0xe: {  	[smem:$0x3FAB] =	sst s6  }
0xf: {  	[smem:$0x3FAC] =	sst s7  }
0x10: {  	[smem:$0x3FAD] =	sst s8  }
0x11: {  	[smem:$0x3FAE] =	sst s9;
	s0 =	simm.s32 @!p0 $0x0  }
0x12: {  	s1 =	sld [smem:$0x3F94];
	s0 =	simm.s32 @p0 $0x1  }
0x13: {  	[smem:$0x3FAF] =	sst s0;
	s0 =	simm.s32 @!p1 $0x0  }
0x14: {  	s2 =	sld [smem:$0x3F93];
	s0 =	simm.s32 @p1 $0x1  }
0x15: {  	[smem:$0x3FB0] =	sst s0;
	s0 =	simm.s32 @!p2 $0x0  }
0x16: {  	s3 =	sld [smem:$0x3FDB];
	s0 =	simm.s32 @p2 $0x1  }
0x17: {  	s4 =	simm.s32 $0x1BF5;
	[smem:$0x3FB2] =	sst s0  }
0x18: {  	s0 =	sld [smem:$0x3F95];
	_ =	swait.ge [sflag:s4], $0x0  }
0x19: {  	s7 =	sld [smem:$0x3F96]  }
0x1a: {  	s8 =	sadd.s32 $0xFFFFE003, lr  }
0x1b: {  	s9 =	sadd.s32 $0xFFFFFEF7, lr;
	s5 =	simm.s32 $0xFFFFFFFF;
	p2 =	slt.u32 s8, $0xFFFFF086  }
0x1c: {  	p1 =	slt.u32 s9, $0xF7A;
	s5 =	simm.s32 @!p2 $0x0  }
0x1d: {  	s5 =	simm.s32 @p1 $0x1;
	p0 =	seq.s32 s7, s2  }
0x1e: {  	s7 =	smul.u32 @!p0 $0xF7A, s2;
	p2 =	seq.s32 @!p0 s5, $0x0  }
0x1f: {  	s9 =	smul.u32 $0xF7A, s1;
	s8 =	simm.s32 @!p0 $0x1BF5;
	p2 =	por !p2, p0  }
0x20: {  	[sflag:s8] =	ssyncset.s32 @!p0 $0xFFFFF086;
	s6 =	sadd.s32 @!p0 s3, s7;
	s7 =	simm.s32 @!p0 $0x108  }
0x21: {  	s3 =	sadd.s32 s3, s9;
	s6 =	sadd.s32 @!p0 $0x88, s6;
	s7 =	simm.s32 @p2 $0x1082  }
0x22: {  	[simem:s7], [sflag:s8] =	dma.local @!p0 [hbm:s6], $0xF7A  }
0x23: {  	s9 =	sor.u32 $0xD0000000, s2;
	s6 =	simm.s32 $0x108;
	_ =	swait.ge @!p0 [sflag:s8], $0x0  }
0x24: {  	s3 =	sadd.s32 $0x88, s3;
	s6 =	simm.s32 @!p1 $0x1082;
	[sflag:s4] =	ssyncset.s32 $0xFFFFF086  }
0x25: {  	[simem:s6], [sflag:s4] =	dma.local [hbm:s3], $0xF7A  }
0x26: {  	[smem:$0x3F96] =	sst s1;
	(tag) =	ssettag s2;
	_ =	strace s9  }
0x27: {  	s1 =	sld [smem:$0x3FA6]  }
0x28: {  	s2 =	sld [smem:$0x3FA7]  }
0x29: {  	s4 =	sld [smem:$0x3FA9]  }
0x2a: {  	p0 =	seq.s32 s5, $0x0;
	s5 =	sld [smem:$0x3FAA]  }
0x2b: {  	s6 =	sld [smem:$0x3FAB]  }
0x2c: {  	s7 =	sld [smem:$0x3FAC]  }
0x2d: {  	s3 =	simm.s32 $0x108;
	s8 =	sld [smem:$0x3FAD]  }
0x2e: {  	s3 =	simm.s32 @!p0 $0x1082;
	s9 =	sld [smem:$0x3FAE]  }
0x2f: {  	lr =	sadd.s32 s0, s3;
	s0 =	sld [smem:$0x3FA5]  }
0x30: {  	s3 =	sld [smem:$0x3FA8]  }
0x31: {  	[smem:$0x3FB1] =	sst s10  }
0x32: {  	s10 =	sld [smem:$0x3FAF];
	_ =	sdelay $0x3  }
0x33: {  	p0 =	seq.s32 s10, $0x1;
	s10 =	sld [smem:$0x3FB1];
	_ =	sdelay $0x3  }
0x34: {  	[smem:$0x3FB1] =	sst s10  }
0x35: {  	s10 =	sld [smem:$0x3FB0];
	_ =	sdelay $0x3  }
0x36: {  	p1 =	seq.s32 s10, $0x1;
	s10 =	sld [smem:$0x3FB1];
	_ =	sdelay $0x3  }
0x37: {  	[smem:$0x3FB1] =	sst s10  }
0x38: {  	s10 =	sld [smem:$0x3FB2]  }
0x39: {  	_ = 	snop;
	(pc) =	sbr.ind lr, $3  }
0x3a: {  	_ = 	snop  }
0x3b: {  	_ = 	snop  }
0x3c: {  	p2 =	seq.s32 s10, $0x1;
	s10 =	sld [smem:$0x3FB1]  }
0x3d: {  	_ =	shalt  }
0x3e: {  	_ =	shalt  }
0x3f: {  	_ =	shalt  }
0x40: {  	_ =	shalt  }
0x41: {  	_ =	shalt  }
0x42: {  	_ =	shalt  }
0x43: {  	_ =	shalt  }
0x44: {  	_ =	shalt  }
0x45: {  	_ =	shalt  }
0x46: {  	_ =	shalt  }
0x47: {  	_ =	shalt  }
0x48: {  	_ =	shalt  }
0x49: {  	_ =	shalt  }
0x4a: {  	_ =	shalt  }
0x4b: {  	_ =	shalt  }
0x4c: {  	_ =	shalt  }
0x4d: {  	_ =	shalt  }
0x4e: {  	_ =	shalt  }
0x4f: {  	_ =	shalt  }
0x50: {  	_ =	shalt  }
0x51: {  	_ =	shalt  }
0x52: {  	_ =	shalt  }
0x53: {  	_ =	shalt  }
0x54: {  	_ =	shalt  }
0x55: {  	_ =	shalt  }
0x56: {  	_ =	shalt  }
0x57: {  	_ =	shalt  }
0x58: {  	_ =	shalt  }
0x59: {  	_ =	shalt  }
0x5a: {  	_ =	shalt  }
0x5b: {  	_ =	shalt  }
0x5c: {  	_ =	shalt  }
0x5d: {  	_ =	shalt  }
0x5e: {  	_ =	shalt  }
0x5f: {  	_ =	shalt  }
0x60: {  	_ =	shalt  }
0x61: {  	_ =	shalt  }
0x62: {  	_ =	shalt  }
0x63: {  	_ =	shalt  }
0x64: {  	_ =	shalt  }
0x65: {  	_ =	shalt  }
0x66: {  	_ =	shalt  }
0x67: {  	_ =	shalt  }
0x68: {  	_ =	shalt  }
0x69: {  	_ =	shalt  }
0x6a: {  	_ =	shalt  }
0x6b: {  	_ =	shalt  }
0x6c: {  	_ =	shalt  }
0x6d: {  	_ =	shalt  }
0x6e: {  	_ =	shalt  }
0x6f: {  	_ =	shalt  }
0x70: {  	_ =	shalt  }
0x71: {  	_ =	shalt  }
0x72: {  	_ =	shalt  }
0x73: {  	_ =	shalt  }
0x74: {  	_ =	shalt  }
0x75: {  	_ =	shalt  }
0x76: {  	_ =	shalt  }
0x77: {  	_ =	shalt  }
0x78: {  	_ =	shalt  }
0x79: {  	_ =	shalt  }
0x7a: {  	_ =	shalt  }
0x7b: {  	_ =	shalt  }
0x7c: {  	_ =	shalt  }
0x7d: {  	_ =	shalt  }
0x7e: {  	_ =	shalt  }
0x7f: {  	_ =	shalt  }
0x80: {  	_ =	shalt  }
0x81: {  	_ =	shalt  }
0x82: {  	_ =	shalt  }
0x83: {  	_ =	shalt  }
0x84: {  	_ =	shalt  }
0x85: {  	_ =	shalt  }
0x86: {  	_ =	shalt  }
0x87: {  	_ =	shalt  }
.Lfunc_end0:
.L_simem_size_0:
called_computation.1_lowered:
.L_overlay_start_0:
0x88: {  	s2 =	sld [smem:$0x3FD9]  }
0x89: {  	s3 =	sld [smem:$0x3FFE];
	_ =	sdelay $0x1  }
0x8a: {  	s1 =	srdreg.scid  }
0x8b: {  	s0 =	sand.u32 $0x1, s1  }
0x8c: {  	s17 =	sshll.u32 s0, $0xA;
	s2 =	sadd.s32 s3, s2  }
0x8d: {  	s2 =	sadd.s32 s2, s17  }
0x8e: {  	[smem:$0x3FBD] =	sst s2  }
0x8f: {  	_ = 	snop  }
0x90: {  	s2 =	sld [smem:$0x3FD0];
	(tm) =	ssettm $0x1  }
0x91: {  	s18 =	sld [smem:$0x3FFB];
	_ =	sdelay $0x3  }
0x92: {  	_ =	strace s18  }
0x93: {  	s3 =	sld [smem:$0x3FFC];
	_ =	sdelay $0x3  }
0x94: {  	_ =	strace s3  }
0x95: {  	s3 =	sld [smem:$0x3FFD];
	_ =	sdelay $0x3  }
0x96: {  	_ =	strace s3  }
0x97: {  	_ =	strace $0x8FFFFFFF  }
0x98: {  	s19 =	sld [smem:$0x3FDB];
	_ =	sdelay $0x1  }
0x99: {  	s4 =	simm.s32 $_scs_section_size  }
0x9a: {  	s5 =	simm.s32 $_size__tile_overlayer_lowered;
	s6 =	simm.s32 $_tile_overlayer_lowered  }
0x9b: {  	s22 =	simm.s32 $0x1BFF;
	s21 =	sshll.u32 s6, $0x1;
	s3 =	sadd.s32 s4, s19  }
0x9c: {  	s7 =	simm.s32 $0x0;
	s20 =	sshll.u32 s5, $0x1;
	s5 =	sadd.s32 s21, s3  }
0x9d: {  	[timem:s7], [sflag:s22] =	dma.local [hbm:s5], s20  }
0x9e: {  	_ =	swait.ge [sflag:s22], s20  }
0x9f: {  	s4 =	ssub.s32 $0x0, s20;
	[sflag:s22] =	ssyncset.done $0x0  }
0xa0: {  	[sflag:s22] =	ssyncadd.s32 s4;
	_ =	sdelay $0x1  }
0xa1: {  	s23 =	simm.s32 $0x1B8B  }
0xa2: {  	_ =	swait.ge [sflag:s23], $0x1  }
0xa3: {  	[sflag:s23] =	ssyncset.done $0x0  }
0xa4: {  	s25 =	simm.s32 $0x1B8E;
	s24 =	sld [smem:$0x3FFE];
	[sflag:s23] =	ssyncadd.s32 $0xFFFFFFFF  }
0xa5: {  	s26 =	simm.s32 $execute0_lowered;
	[smem:$0x3FD2] =	sst s25  }
0xa6: {  	s5 =	sshll.u32 s26, $0x1;
	_ =	strace $0x80000049;
	[dreg:$0x1] =	wrdreg $0xFFFFFFFF  }
0xa7: {  	s28 =	simm.s32 $_size_execute0_lowered;
	s3 =	sadd.s32 s3, s5;
	[dreg:$0x0] =	wrdreg $0x0  }
0xa8: {  	s5 =	sshll.u32 s28, $0x1;
	[dreg:$0x2] =	wrdreg s3  }
0xa9: {  	[dreg:$0x3] =	wrdreg s5  }
0xaa: {  	[dreg:$0x4] =	wrdreg $0xC0  }
0xab: {  	_ =	task [dreg:s7], $0x5FFFF  }
0xac: {  	[dreg:$0x1] =	wrdreg $0xFFFFFFFF  }
0xad: {  	[dreg:$0x0] =	wrdreg $0x60  }
0xae: {  	[dreg:$0x2] =	wrdreg s24  }
0xaf: {  	[dreg:$0x3] =	wrdreg s2  }
0xb0: {  	[dreg:$0x4] =	wrdreg $0xC4000  }
0xb1: {  	[dreg:$0x5] =	wrdreg $0x9  }
0xb2: {  	_ =	task.clear_ibuf [dreg:s7], $0x6FFFF;
	_ =	strace $0x90000049  }
0xb3: {  	s29 =	simm.s32 $0x9;
	_ =	strace $0x8000004B  }
0xb4: {  	_ =	swait.ge [sflag:s29], $0x1  }
0xb5: {  	[sflag:s29] =	ssyncadd.s32 $0xFFFFFFFF  }
0xb6: {  	_ =	strace $0x9000004B  }
0xb7: {  	_ =	sfence  }
0xb8: {  	s30 =	sld [smem:$0x0];
	_ =	sdelay $0x2  }
0xb9: {  	s31 =	sshll.u32 s1, $0xD;
	s1 =	sshrl.u32 s1, $0x2  }
0xba: {  	s3 =	sand.u32 $0x4000, s31;
	s1 =	sadd.s32 s1, s30  }
0xbb: {  	s0 =	sor.u32 s3, s0;
	s1 =	sshll.u32 s1, $0x11  }
0xbc: {  	s0 =	sor.u32 s1, s0  }
0xbd: {  	s0 =	sadd.s32 $0x8F2B, s0  }
0xbe: {  	[sflag:s0] =	ssyncadd.remote.s32 $0x1  }
0xbf: {  	_ =	sfence.sel $0xFFFF  }
0xc0: {  	[dreg:$0x0] =	wrdreg $0xFFFFFFFF;
	(pc) =	sbr.abs _section_cstart, $3  }
0xc1: {  	[dreg:$0x1] =	wrdreg $0xFFFFFFFF  }
0xc2: {  	_ =	task.clear_ibuf [dreg:s7], $0x2FFFF;
	_ =	strace $0x9FFFFFFF  }
0xc3: {  	(tm) =	ssettm $0x7FFFFFFF  }
tec
execute0_lowered:
.L_overlay_start_1:
0x0: {  	(tag) =	ssettag $0x1  }
0x1: {  	s6 =	rddreg [dreg:$0x0]  }
0x2: {  	s1 =	rddreg [dreg:$0x1]  }
0x3: {  	s2 =	rddreg [dreg:$0x2];
	s3 =	srdreg.scid  }
0x4: {  	s0 =	rddreg [dreg:$0x3];
	s4 =	simm.s32 $0x0;
	s17 =	simm.s32 $0x4  }
0x5: {  	s18 =	simm.s32 $0x100;
	s19 =	simm.s32 $0x1;
	s20 =	simm.s32 $0x80  }
0x6: {  	s21 =	simm.s32 $0x2;
	s22 =	simm.s32 $0x3;
	s7 =	sand.u32 $0x1, s3  }
0x7: {  	s24 =	simm.s32 $0x0;
	s3 =	stileid.u32;
	s5 =	smul.u32 $0x13C000, s7  }
0x8: {  	[smem:$0x7FF] =	sst s4;
	s15 =	sadd.s32 $0x53400, s6;
	s8 =	smul.u32 $0x13C00, s3  }
0x9: {  	_ =	strace $0x8000004A;
	s26 =	sshll.u32 s7, $0x4;
	s10 =	smul.u32 $0x4F000, s3  }
0xa: {  	s28 =	ssub.s32 $0x2, s7;
	s30 =	smul.u32 $0x50000, s7;
	s23 =	sshll.u32 s3, $0x6  }
0xb: {  	s12 =	smul.u32 $0x5000, s3;
	s31 =	sshrl.u32 s28, $0x1;
	s23 =	sor.u32 $0x1C04, s23  }
0xc: {  	s5 =	sadd.s32 s8, s5;
	s8 =	sor.u32 s3, s26;
	s29 =	sshrl.u32 s10, $0x2  }
0xd: {  	s14 =	ssub.s32 s28, s31;
	s12 =	sadd.s32 s12, s30;
	s9 =	sshrl.u32 s5, $0x3  }
0xe: {  	s5 =	sadd.s32 $0x3400, s6;
	s11 =	smul.u32 $0x5000, s8;
	s16 =	sor.u32 $0x200, s12  }
.Ltmp0:
0xf: {  	s13 =	sadd.s32 s9, s6;
	s6 =	sadd.s32 s29, s2;
	(pc) =	sbr.rel .LBB2_1-.Ltmp0, $4  }
0x10: {  	s14 =	smax.u32 s14, $0x1;
	s16 =	sshrl.u32 s16, $0x3;
	s7 =	sadd.s32 $0x4000, s6  }
0x11: {  	s8 =	sadd.s32 $0x8000, s6;
	s9 =	sadd.s32 $0xC000, s6;
	s11 =	sshrl.u32 s11, $0x3  }
0x12: {  	s10 =	sadd.s32 $0x10000, s6;
	s13 =	sadd.s32 $0x67400, s13;
	s11 =	sadd.s32 s15, s11  }
0x13: {  	s15 =	sadd.s32 s16, s15;
	s16 =	simm.s32 $0x400;
	s12 =	sadd.s32 $0x20, s11  }
.LBB2_7:
0x14: {  	_ =	swait.ge [sflag:s22], $0x4000  }
0x15: {  	[sflag:s22] =	ssyncset.done $0x0  }
0x16: {  	[sflag:s22] =	ssyncadd.s32 $0xFFFFC000  }
0x17: {  	_ =	swait.ge [sflag:s22], $0x4000  }
0x18: {  	s24 =	sadd.s32 $0x1, s24;
	[sflag:s22] =	ssyncset.done $0x0  }
0x19: {  	p0 =	sne.s32 s24, s14;
	[sflag:s22] =	ssyncadd.s32 $0xFFFFC000  }
.Ltmp1:
0x1a: {  	s25 =	sshrl.u32 s6, $0x3;
	[bflag:$0x0] =	sbarrier.arrive $0xFFFF;
	(pc) =	sbr.rel @!p0 .LBB2_8-.Ltmp1, $4  }
0x1b: {  	[hbm:s13], [sflag:s23] =	dma.local [spmem:s25], $0x2780  }
0x1c: {  	_ =	swait.ge [sflag:s17], $0x2780  }
0x1d: {  	[sflag:s17] =	ssyncset.done $0x0  }
0x1e: {  	[sflag:s17] =	ssyncadd.s32 $0xFFFFD880  }
.LBB2_1:
0x1f: {  	[tilespmem:s16], [sflag:$0x4] =	stream.linear.gather [hbm4b:s5+s4], $0x4000, $0x38;
	v63 =	vld [tilespmem:$0x0]  }
0x20: {  	_ =	swait.ge [sflag:s17], $0x4000  }
0x21: {  	[sflag:s17] =	ssyncset.done $0x0  }
0x22: {  	[sflag:s17] =	ssyncadd.s32 $0xFFFFC000  }
0x23: {  	[spmem:s6] =	stream.linear.scatter [tilespmem:s16], [sflag:$0x4], $0x4000, $0x38;
	v63 =	vld [tilespmem:$0x0]  }
0x24: {  	_ =	swait.ge [sflag:s17], $0x4000  }
0x25: {  	[sflag:s17] =	ssyncset.done $0x0  }
0x26: {  	[sflag:s17] =	ssyncadd.s32 $0xFFFFC000  }
0x27: {  	[spmem:s7] =	stream.linear.scatter [tilespmem:s16], [sflag:$0x4], $0x4000, $0x38;
	v63 =	vld [tilespmem:$0x0]  }
0x28: {  	_ =	swait.ge [sflag:s17], $0x4000  }
0x29: {  	[sflag:s17] =	ssyncset.done $0x0  }
0x2a: {  	[sflag:s17] =	ssyncadd.s32 $0xFFFFC000  }
0x2b: {  	[spmem:s8] =	stream.linear.scatter [tilespmem:s16], [sflag:$0x4], $0x4000, $0x38;
	v63 =	vld [tilespmem:$0x0]  }
0x2c: {  	_ =	swait.ge [sflag:s17], $0x4000  }
0x2d: {  	[sflag:s17] =	ssyncset.done $0x0  }
0x2e: {  	[sflag:s17] =	ssyncadd.s32 $0xFFFFC000  }
0x2f: {  	[spmem:s9] =	stream.linear.scatter [tilespmem:s16], [sflag:$0x4], $0x4000, $0x38;
	v63 =	vld [tilespmem:$0x0]  }
0x30: {  	_ =	swait.ge [sflag:s17], $0x4000  }
0x31: {  	[sflag:s17] =	ssyncset.done $0x0  }
0x32: {  	[sflag:s17] =	ssyncadd.s32 $0xFFFFC000  }
0x33: {  	[spmem:s10] =	stream.linear.scatter [tilespmem:s16], [sflag:$0x4], $0x3C00, $0x38;
	v63 =	vld [tilespmem:$0x0]  }
0x34: {  	_ =	swait.ge [sflag:s17], $0x3C00  }
0x35: {  	[sflag:s17] =	ssyncset.done $0x0  }
0x36: {  	[sflag:s17] =	ssyncadd.s32 $0xFFFFC400  }
0x37: {  	[tilespmem:s4], [sflag:$0x1] =	stream.linear.gather [hbm4b:s11+s4], $0x100, $0x38;
	v63 =	vld [tilespmem:$0x0]  }
0x38: {  	_ = 	snop  }
0x39: {  	[tilespmem:s18], [sflag:$0x1] =	stream.linear.gather [hbm4b:s12+s4], $0x100, $0x38;
	v63 =	vld [tilespmem:$0x0]  }
.Ltmp2:
0x3a: {  	[bflag:$0x0] =	sbarrier.arrive $0xFFFF;
	(pc) =	sbr.rel .LBB2_2-.Ltmp2, $4  }
0x3b: {  	_ =	swait.ge [sflag:s19], $0x100  }
0x3c: {  	s25 =	simm.s32 $0x800;
	[sflag:s19] =	ssyncset.done $0x0  }
0x3d: {  	s26 =	smov.u32 s15;
	s28 =	simm.s32 $0x0;
	[sflag:s19] =	ssyncadd.s32 $0xFFFFFF00  }
0x3e: {  	[tilespmem:s16], [sflag:$0x2] =	stream.indirect.gather [hbm4b:s1+s20], $0x80, s4, s20, $0xb8;
	v63 =	vld [tilespmem:$0x0]  }
.LBB2_3:
0x3f: {  	s30 =	sand.u32 $0xC00, s25  }
0x40: {  	s30 =	sshrl.u32 s30, $0x2  }
0x41: {  	[tilespmem:s30], [sflag:$0x1] =	stream.linear.gather [hbm4b:s26+s4], $0x100, $0x38;
	v63 =	vld [tilespmem:$0x0]  }
.LBB2_5:
0x42: {  	s30 =	sadd.s32 $0xAB, s29  }
0x43: {  	s30 =	sshrl.u32 s30, $0x9  }
0x44: {  	s30 =	sand.u32 $0x7F, s30  }
0x45: {  	s30 =	smul.u32 $0x3, s30;
	_ =	sdelay $0x1  }
0x46: {  	s30 =	ssub.s32 s28, s30  }
0x47: {  	s30 =	sadd.s32 $0x1, s30  }
0x48: {  	_ =	swait.ge [sflag:s19], $0x100;
	s31 =	sadd.s32 $0xFFFFFC00, s25;
	s30 =	sand.u32 $0xFF, s30  }
0x49: {  	[sflag:s19] =	ssyncset.done $0x0;
	s31 =	sand.u32 $0xC00, s31;
	s30 =	sshll.u32 s30, $0xE  }
0x4a: {  	[sflag:s19] =	ssyncadd.s32 $0xFFFFFF00;
	s31 =	sshrl.u32 s31, $0x2;
	s30 =	sor.u32 $0x400, s30  }
0x4b: {  	[tilespmem:s30], [sflag:$0x2] =	stream.indirect.gather [hbm4b:s1+s20], $0x80, s31, s20, $0xb8;
	v63 =	vld [tilespmem:$0x0]  }
.LBB2_6:
0x4c: {  	s29 =	sshrl.u32 s29, $0x9  }
0x4d: {  	s29 =	sand.u32 $0x7F, s29  }
0x4e: {  	s30 =	sadd.s32 $0xFFFFF800, s25;
	s25 =	sadd.s32 $0x400, s25;
	s29 =	smul.u32 $0x3, s29  }
0x4f: {  	_ =	swait.ge [sflag:s21], $0x4000;
	p0 =	sne.s32 s25, $0x14800  }
.Ltmp3:
0x50: {  	s26 =	sadd.s32 $0x20, s26;
	s29 =	ssub.s32 s28, s29;
	(pc) =	sbr.rel @!p0 .LBB2_7-.Ltmp3, $4  }
0x51: {  	s30 =	sand.u32 $0xC00, s30;
	[sflag:s21] =	ssyncset.done $0x0;
	s29 =	sand.u32 $0xFF, s29  }
0x52: {  	s30 =	sshrl.u32 s30, $0x2;
	[sflag:s21] =	ssyncadd.s32 $0xFFFFC000;
	s29 =	sshll.u32 s29, $0xE  }
0x53: {  	s30 =	sor.u32 $0x80, s30;
	s28 =	sadd.s32 $0x1, s28;
	s29 =	sor.u32 $0x400, s29  }
0x54: {  	[spmem:s2] =	stream.indirect.scatter.add.f32 [tilespmem:s29], [sflag:$0x3], $0x80, s30, s20, $0xb8;
	v63 =	vld [tilespmem:$0x0]  }
.LBB2_2:
0x55: {  	p0 =	slt.u32 s28, $0x2  }
0x56: {  	p1 =	sgt.u32 @!p0 s28, $0x4D  }
0x57: {  	p1 =	por p0, !p1  }
.Ltmp4:
0x58: {  	_ = 	snop;
	(pc) =	sbr.rel @p1 .LBB2_3-.Ltmp4, $4  }
0x59: {  	s30 =	simm.s32 @!p0 $0x3  }
0x5a: {  	_ =	swait.ge @!p0 [sflag:s30], $0x4000  }
0x5b: {  	[sflag:s30] =	ssyncset.done @!p0 $0x0  }
0x5c: {  	s29 =	smul.u32 $0xAB, s28;
	[sflag:s30] =	ssyncadd.s32 @!p0 $0xFFFFC000  }
0x5d: {  	p0 =	seq.s32 s25, $0x14400  }
.Ltmp5:
0x5e: {  	_ = 	snop;
	(pc) =	sbr.rel @p0 .LBB2_6-.Ltmp5, $4  }
.Ltmp6:
0x5f: {  	_ = 	snop;
	(pc) =	sbr.rel @!p0 .LBB2_5-.Ltmp6, $4  }
0x60: {  	_ = 	snop  }
0x61: {  	_ = 	snop  }
0x62: {  	_ = 	snop  }
0x63: {  	_ = 	snop  }
.LBB2_8:
0x64: {  	_ =	sfence.sel $0x180000  }
0x65: {  	[bflag:$0x0] =	sbarrier.arrive $0xFFFF  }
0x66: {  	p0 =	sne.s32 s3, $0x0;
	_ =	strace $0x9000004A  }
0x67: {  	s0 =	sadd.s32 @!p0 $0x100000, s0;
	[bflag:$0x2] =	sbarrier.arrive $0xFFFF  }
0x68: {  	[sflag:s0] =	ssyncadd.tile.s32 @!p0 $0x1;
	_ =	shalt  }
.Lfunc_end2:
_tile_overlayer_lowered:
.L_overlay_start_2:
0x69: {  	(tag) =	ssettag $0x2  }
0x6a: {  	s0 =	rddreg [dreg:$0x0];
	s2 =	stileid.u32  }
0x6b: {  	s1 =	rddreg [dreg:$0x1];
	p0 =	sne.s32 s2, $0x0  }
0x6c: {  	s3 =	rddreg [dreg:$0x2];
	[bflag:$0x3] =	sbarrier.arrive $0xFFFF;
	s2 =	simm.s32 @!p0 $0x1C04  }
0x6d: {  	[timem:s3], [sflag:s2] =	dma.local @!p0 [hbm:s0], s1  }
0x6e: {  	s0 =	simm.s32 @!p0 $0x4  }
0x6f: {  	_ =	swait.ge @!p0 [sflag:s0], s1  }
0x70: {  	s1 =	ssub.s32 @!p0 $0x0, s1;
	[sflag:s0] =	ssyncset.done @!p0 $0x0  }
0x71: {  	[sflag:s0] =	ssyncadd.s32 @!p0 s1  }
0x72: {  	[bflag:$0x3] =	sbarrier.arrive $0xFFFF  }
0x73: {  	_ =	shalt  }

</sc_bundles>
